<compile_context>
chip_gen: v7x
topology: tpu7x:2x2x1
jax: 0.10.2.dev20260603
libtpu: 0.0.44.dev20260713+nightly
codegen_flags: <defaults>
</compile_context>

<pallas_src>
import functools

import jax
import jax.numpy as jnp
from jax import lax
from jax.experimental import pallas as pl
from jax.experimental.pallas import tpu as pltpu
from jax.experimental.pallas import tpu_sc as plsc

TOPK = 32
LANES = 16
ROW = 2048
NV = ROW // LANES
CHUNK = 16
MINI32 = -(2 ** 31)


def _sc_topk_mask(n_rows):
    n_workers = 32
    rows_per_w = n_rows // n_workers
    n_chunks = rows_per_w // CHUNK
    mesh = plsc.VectorSubcoreMesh(core_axis_name="c", subcore_axis_name="s")

    @functools.partial(
        pl.kernel,
        mesh=mesh,
        out_type=jax.ShapeDtypeStruct((n_rows, ROW), jnp.float32),
        compiler_params=pltpu.CompilerParams(needs_layout_passes=False),
        scratch_types=[
            pltpu.VMEM((CHUNK, ROW), jnp.float32),
            pltpu.VMEM((ROW,), jnp.int32),
            pltpu.VMEM((ROW,), jnp.int32),
            pltpu.VMEM((256,), jnp.int32),
        ],
    )
    def k(x_hbm, out_hbm, buf, keys, cbuf, hist):
        wid = lax.axis_index("s") * 2 + lax.axis_index("c")
        base = wid * rows_per_w
        lane = jnp.arange(LANES, dtype=jnp.int32)
        laneoff = lane * LANES
        ones16 = jnp.ones((LANES,), jnp.int32)

        def zero_hist(j, _):
            hist[pl.ds(j * LANES, LANES)] = jnp.zeros((LANES,), jnp.int32)
            return 0

        def reduce_hist(c, acc):
            return acc + hist[pl.ds(c * LANES, LANES)]

        def pick_bin(counts, want):
            csum = plsc.cumsum(lax.rev(counts, (0,)))
            i0 = jnp.max(plsc.all_reduce_ffs(csum >= want))
            b = 15 - i0
            above = jnp.sum(jnp.where(lane > b, counts, 0))
            inbin = jnp.sum(jnp.where(lane == b, counts, 0))
            return b, above, inbin

        def per_row(r, _):
            lax.fori_loop(0, 16, zero_hist, 0)

            @plsc.parallel_loop(0, NV, unroll=8)
            def _p1(j):
                x = buf[r, pl.ds(j * LANES, LANES)]
                b = lax.bitcast_convert_type(x, jnp.int32)
                key = b ^ ((b >> 31) & jnp.int32(0x7FFFFFFF))
                keys[pl.ds(j * LANES, LANES)] = key
                bucket = (key >> 28) + 8
                plsc.addupdate_scatter(hist, [laneoff + bucket], ones16)
            counts = lax.fori_loop(0, 16, reduce_hist,
                                   jnp.zeros((LANES,), jnp.int32))
            b1, above, inbin = pick_bin(counts, jnp.int32(TOPK))

            def cp1(j, off):
                key = keys[pl.ds(j * LANES, LANES)]
                msk = ((key >> 28) + 8) == b1
                plsc.store_compressed(cbuf.at[pl.ds(off, LANES)], key, mask=msk)
                return off + jnp.max(plsc.all_reduce_population_count(msk))

            plsc.parallel_loop(0, NV, unroll=4, carry=jnp.int32(0))(cp1)

            def lvl_cond(st):
                m, remk, shift = st
                return (m > LANES) & (shift >= 0)

            def lvl_body(st):
                m, remk, shift = st
                lax.fori_loop(0, 16, zero_hist, 0)
                nv = (m + LANES - 1) // LANES

                def h2(j, _):
                    key = cbuf[pl.ds(j * LANES, LANES)]
                    valid = (j * LANES + lane) < m
                    bucket = (key >> shift) & 15
                    plsc.addupdate_scatter(hist, [laneoff + bucket], ones16,
                                           mask=valid)
                    return 0

                lax.fori_loop(0, nv, h2, 0)
                counts2 = lax.fori_loop(0, 16, reduce_hist,
                                        jnp.zeros((LANES,), jnp.int32))
                b2, above2, inbin2 = pick_bin(counts2, remk)

                def cp2(j, off):
                    key = cbuf[pl.ds(j * LANES, LANES)]
                    valid = ((j * LANES + lane) < m) & \
                            (((key >> shift) & 15) == b2)
                    plsc.store_compressed(cbuf.at[pl.ds(off, LANES)], key,
                                          mask=valid)
                    return off + jnp.max(plsc.all_reduce_population_count(valid))

                lax.fori_loop(0, nv, cp2, jnp.int32(0))
                return (inbin2, remk - above2, shift - 4)

            m, remk, _ = lax.while_loop(
                lvl_cond, lvl_body, (inbin, jnp.int32(TOPK) - above,
                                     jnp.int32(24)))

            head = cbuf[pl.ds(0, LANES)]
            kv = jnp.where(lane < m, head, MINI32)
            skeys, _ = plsc.sort_key_val(kv, kv, descending=True)
            tkey = jnp.max(jnp.where(lane == remk - 1, skeys, MINI32))
            tkey = jnp.where(m > LANES,
                             jnp.max(jnp.where(lane == 0, head, MINI32)),
                             tkey)
            tb = jnp.broadcast_to(tkey, (LANES,))
            tf = lax.bitcast_convert_type(
                tb ^ ((tb >> 31) & jnp.int32(0x7FFFFFFF)), jnp.float32)

            @plsc.parallel_loop(0, NV, unroll=8)
            def _mp(j):
                x = buf[r, pl.ds(j * LANES, LANES)]
                buf[r, pl.ds(j * LANES, LANES)] = jnp.where(
                    x >= tf, x, jnp.float32(0.0))
            return 0

        def per_chunk(ci, _):
            row0 = base + ci * CHUNK
            pltpu.sync_copy(x_hbm.at[pl.ds(row0, CHUNK)], buf)
            lax.fori_loop(0, CHUNK, per_row, 0)
            pltpu.sync_copy(buf, out_hbm.at[pl.ds(row0, CHUNK)])
            return 0

        lax.fori_loop(0, n_chunks, per_chunk, 0)

    return k


ROWS_PER_BLOCK = 256


def _tc_mask_kernel(x_ref, o_ref):
    x = x_ref[...]
    b = lax.bitcast_convert_type(x, jnp.uint32)
    sign = b >> 31
    flip = jnp.where(sign == 1, jnp.uint32(0xFFFFFFFF), jnp.uint32(0x80000000))
    key = b ^ flip
    t = jnp.zeros((x.shape[0], 1), dtype=jnp.uint32)
    for bit in range(31, 3, -1):
        cand = t | jnp.uint32(1 << bit)
        cnt = jnp.sum(jnp.where(key >= cand, 1, 0).astype(jnp.float32),
                      axis=1, keepdims=True)
        t = jnp.where(cnt >= float(TOPK), cand, t)
    o_ref[...] = jnp.where(key >= t, x, jnp.float32(0.0))


def _tc_topk_mask(flat):
    n_rows = flat.shape[0]
    grid = n_rows // ROWS_PER_BLOCK
    return pl.pallas_call(
        _tc_mask_kernel,
        grid=(grid,),
        in_specs=[pl.BlockSpec((ROWS_PER_BLOCK, ROW), lambda i: (i, 0))],
        out_specs=pl.BlockSpec((ROWS_PER_BLOCK, ROW), lambda i: (i, 0)),
        out_shape=jax.ShapeDtypeStruct((n_rows, ROW), jnp.float32),
    )(flat)


SC_ROWS = 19456


@jax.jit
def kernel(T):
    shape = T.shape
    flat = T.reshape(-1, shape[-1])
    sc_out = _sc_topk_mask(SC_ROWS)(flat[:SC_ROWS])
    tc_out = _tc_topk_mask(flat[SC_ROWS:])
    return jnp.concatenate([sc_out, tc_out], axis=0).reshape(shape)

# --- scband reference (transcript-rebuilt; emitter-appended) ---
"""Pipeline reference for scband-sparsity-mask-84911503442799 (READ-ONLY COPY).

The authoritative reference and input builder live on the scoring server;
editing this copy changes nothing except your own understanding.
"""

import jax, jax.numpy as jnp
import numpy as np

TOP_K = 32

def setup_inputs(seed: int = 0) -> dict:
    key = jax.random.key(seed)
    T = jax.random.normal(key, (2, 12, 2048, 2048), dtype=jnp.float32)
    return {"T": T}

def reference(T):
    # SparsityType.TOP_K branch: keep top_k entries per row of last dim, zero elsewhere
    L = T.shape[-1]
    k = min(TOP_K, L)
    vals, idx = jax.lax.top_k(T, k)  # vals/idx: [..., k]
    flat_T = T.reshape(-1, L)
    flat_vals = vals.reshape(-1, k)
    flat_idx = idx.reshape(-1, k)
    rows = jnp.arange(flat_T.shape[0])[:, None]
    # scatter-overwrite (torch scatter_ along dim=-1); topk indices are unique per row
    sparse = jnp.zeros_like(flat_T).at[rows, flat_idx].set(flat_vals)
    return sparse.reshape(T.shape)

if __name__ == "__main__":
    import jax
    _d = setup_inputs()
    print(jax.jit(kernel)(*tuple(_d.values())))

</pallas_src>

<mosaic_0001>
#map = affine_map<(d0, d1) -> (0, 0)>
module attributes {stable_mosaic.version = 14 : i64} {
  func.func @k(%arg0: i32, %arg1: i32, %arg2: memref<19456x2048xf32, #tpu.memory_space<hbm>>, %arg3: memref<19456x2048xf32, #tpu.memory_space<hbm>>, %arg4: memref<16x2048xf32, #tpu.memory_space<vmem>>, %arg5: memref<2048xi32, #tpu.memory_space<vmem>>, %arg6: memref<2048xi32, #tpu.memory_space<vmem>>, %arg7: memref<256xi32, #tpu.memory_space<vmem>>) attributes {dimension_semantics = [#tpu.dimension_semantics<core_parallel>, #tpu.dimension_semantics<subcore_parallel>], iteration_bounds = array<i64: 2, 16>, scalar_prefetch = 0 : i64, scratch_operands = 4 : i64, tpu.core_type = #tpu.core_type<sc_vector_subcore>, window_params = [{transform_indices = #map}, {transform_indices = #map}]} {
    %mul3A = arith.constant 2 : i32
    %mul3A_0 = arith.muli %arg1, %mul3A : i32
    %add3A = arith.addi %mul3A_0, %arg0 : i32
    %mul3A_1 = arith.constant 608 : i32
    %mul3A_2 = arith.muli %add3A, %mul3A_1 : i32
    %iota3A = tpu.iota {dimensions = array<i32: 0>} : vector<16xi32>
    %mul3A_3 = arith.constant 16 : i32
    %mul3A_4 = vector.broadcast %mul3A_3 : i32 to vector<16xi32>
    %mul3A_5 = arith.muli %iota3A, %mul3A_4 : vector<16xi32>
    %broadcast_in_dim3A = arith.constant 1 : i32
    %broadcast_in_dim3A_6 = vector.broadcast %broadcast_in_dim3A : i32 to vector<16xi32>
    %scan3A = arith.constant 0 : i32
    %scan3A_7 = arith.constant 0 : i32
    %scan3A_8 = arith.constant 38 : i32
    %scan3A_9 = arith.addi %scan3A_7, %scan3A_8 : i32
    %scan3A_10 = arith.constant 1 : i32
    %scan3A_11 = scf.for %scan3A_13 = %scan3A_7 to %scan3A_9 step %scan3A_10 iter_args(%scan3A_14 = %scan3A) -> (i32)  : i32 {
      %mul3A_15 = arith.constant 16 : i32
      %mul3A_16 = arith.muli %scan3A_13, %mul3A_15 : i32
      %add3A_17 = arith.addi %mul3A_2, %mul3A_16 : i32
      "tpu.region"() ({
        %run_scoped3A = tpu.sem_alloc : memref<!tpu.dma_semaphore, #tpu.memory_space<semaphore_mem>>
        %dma_start3A = arith.constant 0 : i32
        %dma_start3A_26 = tpu.memref_slice %arg2[%add3A_17, %dma_start3A] : memref<19456x2048xf32, #tpu.memory_space<hbm>> -> memref<16x2048xf32, #tpu.memory_space<hbm>>
        %dma_start3A_27 = arith.constant 0 : i32
        %dma_start3A_28 = tpu.memref_slice %arg2[%add3A_17, %dma_start3A_27] : memref<19456x2048xf32, #tpu.memory_space<hbm>> -> memref<16x2048xf32, #tpu.memory_space<hbm>>
        tpu.enqueue_dma source(%dma_start3A_28 : memref<16x2048xf32, #tpu.memory_space<hbm>>) target(%arg4 : memref<16x2048xf32, #tpu.memory_space<vmem>>) target_semaphore(%run_scoped3A : memref<!tpu.dma_semaphore, #tpu.memory_space<semaphore_mem>>)
        %dma_wait3A = arith.constant 0 : i32
        %dma_wait3A_29 = tpu.memref_slice %arg2[%add3A_17, %dma_wait3A] : memref<19456x2048xf32, #tpu.memory_space<hbm>> -> memref<16x2048xf32, #tpu.memory_space<hbm>>
        %dma_wait3A_30 = arith.constant 0 : i32
        %dma_wait3A_31 = tpu.memref_slice %arg2[%add3A_17, %dma_wait3A_30] : memref<19456x2048xf32, #tpu.memory_space<hbm>> -> memref<16x2048xf32, #tpu.memory_space<hbm>>
        tpu.wait_dma2 semaphore(%run_scoped3A : memref<!tpu.dma_semaphore, #tpu.memory_space<semaphore_mem>>) src(%dma_wait3A_31 : memref<16x2048xf32, #tpu.memory_space<hbm>>) dst(%arg4 : memref<16x2048xf32, #tpu.memory_space<vmem>>)
        tpu.yield
      }) : () -> ()
      %scan3A_18 = arith.constant 0 : i32
      %scan3A_19 = arith.constant 0 : i32
      %scan3A_20 = arith.constant 16 : i32
      %scan3A_21 = arith.addi %scan3A_19, %scan3A_20 : i32
      %scan3A_22 = arith.constant 1 : i32
      %scan3A_23 = scf.for %scan3A_26 = %scan3A_19 to %scan3A_21 step %scan3A_22 iter_args(%scan3A_27 = %scan3A_18) -> (i32)  : i32 {
        %scan3A_28 = arith.constant 0 : i32
        %scan3A_29 = arith.constant 0 : i32
        %scan3A_30 = arith.constant 16 : i32
        %scan3A_31 = arith.addi %scan3A_29, %scan3A_30 : i32
        %scan3A_32 = arith.constant 1 : i32
        %scan3A_33 = scf.for %scan3A_135 = %scan3A_29 to %scan3A_31 step %scan3A_32 iter_args(%scan3A_136 = %scan3A_28) -> (i32)  : i32 {
          %broadcast_in_dim3A_137 = arith.constant 0 : i32
          %broadcast_in_dim3A_138 = vector.broadcast %broadcast_in_dim3A_137 : i32 to vector<16xi32>
          %mul3A_139 = arith.constant 16 : i32
          %mul3A_140 = arith.muli %scan3A_135, %mul3A_139 : i32
          %swap3A = arith.index_cast %mul3A_140 : i32 to index
          %swap3A_141 = tpu.vector_load %arg7[%swap3A] {strides = array<i32>} : memref<256xi32, #tpu.memory_space<vmem>>, vector<16xi32>,
          tpu.vector_store %arg7[%swap3A], %broadcast_in_dim3A_138 {strides = array<i32>} : memref<256xi32, #tpu.memory_space<vmem>>, vector<16xi32>,
          %scan3A_142 = arith.constant 0 : i32
          scf.yield %scan3A_142 : i32
        }
        %scan3A_34 = arith.constant 16 : i32
        %parallel_loop3A = arith.constant 0 : i32
        %parallel_loop3A_35 = arith.constant 128 : i32
        %parallel_loop3A_36 = arith.constant 1 : i32
        scf.for %parallel_loop3A_135 = %parallel_loop3A to %parallel_loop3A_35 step %parallel_loop3A_36  : i32 {
          %parallel_loop3A_136 = arith.constant 16 : i32
          %parallel_loop3A_137 = arith.muli %parallel_loop3A_135, %parallel_loop3A_136 : i32
          %parallel_loop3A_138 = arith.index_cast %scan3A_26 : i32 to index
          %parallel_loop3A_139 = arith.index_cast %parallel_loop3A_137 : i32 to index
          %parallel_loop3A_140 = tpu.vector_load %arg4[%parallel_loop3A_138, %parallel_loop3A_139] {strides = array<i32>} : memref<16x2048xf32, #tpu.memory_space<vmem>>, vector<16xf32>,
          %parallel_loop3A_141 = tpu.bitcast %parallel_loop3A_140 : vector<16xf32> -> vector<16xi32>
          %parallel_loop3A_142 = arith.constant 31 : i32
          %parallel_loop3A_143 = vector.broadcast %parallel_loop3A_142 : i32 to vector<16xi32>
          %parallel_loop3A_144 = arith.shrsi %parallel_loop3A_141, %parallel_loop3A_143 : vector<16xi32>
          %parallel_loop3A_145 = arith.constant 2147483647 : i32
          %parallel_loop3A_146 = vector.broadcast %parallel_loop3A_145 : i32 to vector<16xi32>
          %parallel_loop3A_147 = arith.andi %parallel_loop3A_144, %parallel_loop3A_146 : vector<16xi32>
          %parallel_loop3A_148 = arith.xori %parallel_loop3A_141, %parallel_loop3A_147 : vector<16xi32>
          %parallel_loop3A_149 = arith.constant 16 : i32
          %parallel_loop3A_150 = arith.muli %parallel_loop3A_135, %parallel_loop3A_149 : i32
          %parallel_loop3A_151 = arith.index_cast %parallel_loop3A_150 : i32 to index
          %parallel_loop3A_152 = tpu.vector_load %arg5[%parallel_loop3A_151] {strides = array<i32>} : memref<2048xi32, #tpu.memory_space<vmem>>, vector<16xi32>,
          tpu.vector_store %arg5[%parallel_loop3A_151], %parallel_loop3A_148 {strides = array<i32>} : memref<2048xi32, #tpu.memory_space<vmem>>, vector<16xi32>,
          %parallel_loop3A_153 = arith.constant 28 : i32
          %parallel_loop3A_154 = vector.broadcast %parallel_loop3A_153 : i32 to vector<16xi32>
          %parallel_loop3A_155 = arith.shrsi %parallel_loop3A_148, %parallel_loop3A_154 : vector<16xi32>
          %parallel_loop3A_156 = arith.constant 8 : i32
          %parallel_loop3A_157 = vector.broadcast %parallel_loop3A_156 : i32 to vector<16xi32>
          %parallel_loop3A_158 = arith.addi %parallel_loop3A_155, %parallel_loop3A_157 : vector<16xi32>
          %parallel_loop3A_159 = arith.addi %mul3A_5, %parallel_loop3A_158 : vector<16xi32>
          tpu.vector_store_idx %arg7[%parallel_loop3A_159], %broadcast_in_dim3A_6 {add = true} : memref<256xi32, #tpu.memory_space<vmem>>[vector<16xi32>], vector<16xi32>,
        } {sc.loop_unroll_factor = 8 : i64, sc.parallel_access}
        %broadcast_in_dim3A_37 = arith.constant 0 : i32
        %broadcast_in_dim3A_38 = vector.broadcast %broadcast_in_dim3A_37 : i32 to vector<16xi32>
        %scan3A_39 = arith.constant 0 : i32
        %scan3A_40 = arith.constant 16 : i32
        %scan3A_41 = arith.addi %scan3A_39, %scan3A_40 : i32
        %scan3A_42 = arith.constant 1 : i32
        %scan3A_43 = scf.for %scan3A_135 = %scan3A_39 to %scan3A_41 step %scan3A_42 iter_args(%scan3A_136 = %broadcast_in_dim3A_38) -> (vector<16xi32>)  : i32 {
          %mul3A_137 = arith.constant 16 : i32
          %mul3A_138 = arith.muli %scan3A_135, %mul3A_137 : i32
          %get3A_139 = arith.index_cast %mul3A_138 : i32 to index
          %get3A_140 = tpu.vector_load %arg7[%get3A_139] {strides = array<i32>} : memref<256xi32, #tpu.memory_space<vmem>>, vector<16xi32>,
          %add3A_141 = arith.addi %scan3A_136, %get3A_140 : vector<16xi32>
          scf.yield %add3A_141 : vector<16xi32>
        }
        %scan3A_44 = arith.constant 16 : i32
        %rev3A = arith.constant 15 : i32
        %rev3A_45 = vector.broadcast %rev3A : i32 to vector<16xi32>
        %rev3A_46 = tpu.iota {dimensions = array<i32: 0>} : vector<16xi32>
        %rev3A_47 = arith.subi %rev3A_45, %rev3A_46 : vector<16xi32>
        %rev3A_48 = tpu.dynamic_gather %scan3A_43[%rev3A_47] in [0] : vector<16xi32>, vector<16xi32> -> vector<16xi32>
        %broadcast_in_dim3A_49 = arith.constant true
        %broadcast_in_dim3A_50 = vector.broadcast %broadcast_in_dim3A_49 : i1 to vector<16xi1>
        %masked_cumsum3A = tpu.scan <sum>, %rev3A_48 masked %broadcast_in_dim3A_50 : vector<16xi32>, vector<16xi1> -> vector<16xi32>
        %ge3A = arith.constant 32 : i32
        %ge3A_51 = vector.broadcast %ge3A : i32 to vector<16xi32>
        %ge3A_52 = arith.cmpi sge, %masked_cumsum3A, %ge3A_51 : vector<16xi32>
        %all_reduce_ffs3A = tpu.all_reduce %ge3A_52 {dim = 0 : i64, kind = #tpu.reduction_kind<find_first_set>} : vector<16xi1> -> vector<16xi32>
        %reduce_max3A = arith.constant true
        %reduce_max3A_53 = vector.broadcast %reduce_max3A : i1 to vector<16xi1>
        %reduce_max3A_54 = arith.constant -2147483648 : i32
        %reduce_max3A_55 = vector.broadcast %reduce_max3A_54 : i32 to vector<16xi32>
        %reduce_max3A_56 = arith.xori %all_reduce_ffs3A, %reduce_max3A_55 : vector<16xi32>
        %reduce_max3A_57 = tpu.scan <max>, %reduce_max3A_56 masked %reduce_max3A_53 : vector<16xi32>, vector<16xi1> -> vector<16xi32>
        %reduce_max3A_58 = arith.xori %reduce_max3A_57, %reduce_max3A_55 : vector<16xi32>
        %reduce_max3A_59 = vector.extract %reduce_max3A_58[15] : i32 from vector<16xi32>
        %sub3A = arith.constant 15 : i32
        %sub3A_60 = arith.subi %sub3A, %reduce_max3A_59 : i32
        %gt3A = vector.broadcast %sub3A_60 : i32 to vector<16xi32>
        %gt3A_61 = arith.cmpi sgt, %iota3A, %gt3A : vector<16xi32>
        %jit3A = arith.constant 0 : i32
        %broadcast_in_dim3A_62 = vector.broadcast %jit3A : i32 to vector<16xi32>
        %select_n3A = arith.select %gt3A_61, %scan3A_43, %broadcast_in_dim3A_62 : vector<16xi1>, vector<16xi32>
        %reduce_sum3A = arith.constant true
        %reduce_sum3A_63 = vector.broadcast %reduce_sum3A : i1 to vector<16xi1>
        %reduce_sum3A_64 = tpu.scan <sum>, %select_n3A masked %reduce_sum3A_63 : vector<16xi32>, vector<16xi1> -> vector<16xi32>
        %reduce_sum3A_65 = vector.extract %reduce_sum3A_64[15] : i32 from vector<16xi32>
        %eq3A = vector.broadcast %sub3A_60 : i32 to vector<16xi32>
        %eq3A_66 = arith.cmpi eq, %iota3A, %eq3A : vector<16xi32>
        %jit3A_67 = arith.constant 0 : i32
        %broadcast_in_dim3A_68 = vector.broadcast %jit3A_67 : i32 to vector<16xi32>
        %select_n3A_69 = arith.select %eq3A_66, %scan3A_43, %broadcast_in_dim3A_68 : vector<16xi1>, vector<16xi32>
        %reduce_sum3A_70 = arith.constant true
        %reduce_sum3A_71 = vector.broadcast %reduce_sum3A_70 : i1 to vector<16xi1>
        %reduce_sum3A_72 = tpu.scan <sum>, %select_n3A_69 masked %reduce_sum3A_71 : vector<16xi32>, vector<16xi1> -> vector<16xi32>
        %reduce_sum3A_73 = vector.extract %reduce_sum3A_72[15] : i32 from vector<16xi32>
        %parallel_loop3A_74 = arith.constant 0 : i32
        %parallel_loop3A_75 = arith.constant 128 : i32
        %parallel_loop3A_76 = arith.constant 1 : i32
        %parallel_loop3A_77 = arith.constant 0 : i32
        %parallel_loop3A_78 = scf.for %parallel_loop3A_135 = %parallel_loop3A_74 to %parallel_loop3A_75 step %parallel_loop3A_76 iter_args(%parallel_loop3A_136 = %parallel_loop3A_77) -> (i32)  : i32 {
          %parallel_loop3A_137 = arith.constant 16 : i32
          %parallel_loop3A_138 = arith.muli %parallel_loop3A_135, %parallel_loop3A_137 : i32
          %parallel_loop3A_139 = arith.index_cast %parallel_loop3A_138 : i32 to index
          %parallel_loop3A_140 = tpu.vector_load %arg5[%parallel_loop3A_139] {strides = array<i32>} : memref<2048xi32, #tpu.memory_space<vmem>>, vector<16xi32>,
          %parallel_loop3A_141 = arith.constant 28 : i32
          %parallel_loop3A_142 = vector.broadcast %parallel_loop3A_141 : i32 to vector<16xi32>
          %parallel_loop3A_143 = arith.shrsi %parallel_loop3A_140, %parallel_loop3A_142 : vector<16xi32>
          %parallel_loop3A_144 = arith.constant 8 : i32
          %parallel_loop3A_145 = vector.broadcast %parallel_loop3A_144 : i32 to vector<16xi32>
          %parallel_loop3A_146 = arith.addi %parallel_loop3A_143, %parallel_loop3A_145 : vector<16xi32>
          %parallel_loop3A_147 = vector.broadcast %sub3A_60 : i32 to vector<16xi32>
          %parallel_loop3A_148 = arith.cmpi eq, %parallel_loop3A_146, %parallel_loop3A_147 : vector<16xi32>
          %parallel_loop3A_149 = arith.index_cast %parallel_loop3A_136 : i32 to index
          %parallel_loop3A_150 = tpu.vector_load %arg6[%parallel_loop3A_149] masked %parallel_loop3A_148 {strides = array<i32>} : memref<2048xi32, #tpu.memory_space<vmem>>, vector<16xi32>, vector<16xi1>
          tpu.vector_store %arg6[%parallel_loop3A_149], %parallel_loop3A_140 masked %parallel_loop3A_148 {strides = array<i32>} : memref<2048xi32, #tpu.memory_space<vmem>>, vector<16xi32>, vector<16xi1>
          %parallel_loop3A_151 = tpu.all_reduce %parallel_loop3A_148 {dim = 0 : i64, kind = #tpu.reduction_kind<sum>} : vector<16xi1> -> vector<16xi32>
          %parallel_loop3A_152 = arith.constant true
          %parallel_loop3A_153 = vector.broadcast %parallel_loop3A_152 : i1 to vector<16xi1>
          %parallel_loop3A_154 = arith.constant -2147483648 : i32
          %parallel_loop3A_155 = vector.broadcast %parallel_loop3A_154 : i32 to vector<16xi32>
          %parallel_loop3A_156 = arith.xori %parallel_loop3A_151, %parallel_loop3A_155 : vector<16xi32>
          %parallel_loop3A_157 = tpu.scan <max>, %parallel_loop3A_156 masked %parallel_loop3A_153 : vector<16xi32>, vector<16xi1> -> vector<16xi32>
          %parallel_loop3A_158 = arith.xori %parallel_loop3A_157, %parallel_loop3A_155 : vector<16xi32>
          %parallel_loop3A_159 = vector.extract %parallel_loop3A_158[15] : i32 from vector<16xi32>
          %parallel_loop3A_160 = arith.addi %parallel_loop3A_136, %parallel_loop3A_159 : i32
          scf.yield %parallel_loop3A_160 : i32
        } {sc.loop_unroll_factor = 4 : i64, sc.parallel_access}
        %sub3A_79 = arith.constant 32 : i32
        %sub3A_80 = arith.subi %sub3A_79, %reduce_sum3A_65 : i32
        %while3A = arith.constant 24 : i32
        %while3A_81:3 = scf.while (%while3A_135 = %reduce_sum3A_73, %while3A_136 = %sub3A_80, %while3A_137 = %while3A) : (i32, i32, i32) -> (i32, i32, i32) {
          %gt3A_138 = arith.constant 16 : i32
          %gt3A_139 = arith.cmpi sgt, %while3A_135, %gt3A_138 : i32
          %ge3A_140 = arith.constant 0 : i32
          %ge3A_141 = arith.cmpi sge, %while3A_137, %ge3A_140 : i32
          %and3A_142 = arith.andi %gt3A_139, %ge3A_141 : i1
          scf.condition(%and3A_142) %while3A_135, %while3A_136, %while3A_137 : i32, i32, i32
        } do {
        ^bb0(%while3A_135: i32, %while3A_136: i32, %while3A_137: i32):
          %scan3A_138 = arith.constant 0 : i32
          %scan3A_139 = arith.constant 0 : i32
          %scan3A_140 = arith.constant 16 : i32
          %scan3A_141 = arith.addi %scan3A_139, %scan3A_140 : i32
          %scan3A_142 = arith.constant 1 : i32
          %scan3A_143 = scf.for %scan3A_243 = %scan3A_139 to %scan3A_141 step %scan3A_142 iter_args(%scan3A_244 = %scan3A_138) -> (i32)  : i32 {
            %broadcast_in_dim3A_245 = arith.constant 0 : i32
            %broadcast_in_dim3A_246 = vector.broadcast %broadcast_in_dim3A_245 : i32 to vector<16xi32>
            %mul3A_247 = arith.constant 16 : i32
            %mul3A_248 = arith.muli %scan3A_243, %mul3A_247 : i32
            %swap3A = arith.index_cast %mul3A_248 : i32 to index
            %swap3A_249 = tpu.vector_load %arg7[%swap3A] {strides = array<i32>} : memref<256xi32, #tpu.memory_space<vmem>>, vector<16xi32>,
            tpu.vector_store %arg7[%swap3A], %broadcast_in_dim3A_246 {strides = array<i32>} : memref<256xi32, #tpu.memory_space<vmem>>, vector<16xi32>,
            %scan3A_250 = arith.constant 0 : i32
            scf.yield %scan3A_250 : i32
          }
          %scan3A_144 = arith.constant 16 : i32
          %add3A_145 = arith.constant 16 : i32
          %add3A_146 = arith.addi %while3A_135, %add3A_145 : i32
          %sub3A_147 = arith.constant 1 : i32
          %sub3A_148 = arith.subi %add3A_146, %sub3A_147 : i32
          %jit3A_149 = arith.constant 16 : i32
          %div3A = arith.divsi %sub3A_148, %jit3A_149 : i32
          %sign3A = arith.constant 0 : i32
          %sign3A_150 = arith.cmpi sgt, %sub3A_148, %sign3A : i32
          %sign3A_151 = arith.extui %sign3A_150 : i1 to i32
          %sign3A_152 = arith.constant 0 : i32
          %sign3A_153 = arith.cmpi slt, %sub3A_148, %sign3A_152 : i32
          %sign3A_154 = arith.extui %sign3A_153 : i1 to i32
          %sign3A_155 = arith.subi %sign3A_151, %sign3A_154 : i32
          %sign3A_156 = arith.constant 0 : i32
          %sign3A_157 = arith.cmpi sgt, %jit3A_149, %sign3A_156 : i32
          %sign3A_158 = arith.extui %sign3A_157 : i1 to i32
          %sign3A_159 = arith.constant 0 : i32
          %sign3A_160 = arith.cmpi slt, %jit3A_149, %sign3A_159 : i32
          %sign3A_161 = arith.extui %sign3A_160 : i1 to i32
          %sign3A_162 = arith.subi %sign3A_158, %sign3A_161 : i32
          %ne3A = arith.cmpi ne, %sign3A_155, %sign3A_162 : i32
          %rem3A = arith.remsi %sub3A_148, %jit3A_149 : i32
          %ne3A_163 = arith.constant 0 : i32
          %ne3A_164 = arith.cmpi ne, %rem3A, %ne3A_163 : i32
          %and3A_165 = arith.andi %ne3A, %ne3A_164 : i1
          %sub3A_166 = arith.constant 1 : i32
          %sub3A_167 = arith.subi %div3A, %sub3A_166 : i32
          %select_n3A_168 = arith.select %and3A_165, %sub3A_167, %div3A : i32
          %while3A_169 = arith.constant 0 : i32
          %while3A_170 = arith.constant 0 : i32
          %while3A_171 = arith.subi %select_n3A_168, %while3A_169 : i32
          %while3A_172 = arith.addi %while3A_169, %while3A_171 : i32
          %while3A_173 = arith.constant 1 : i32
          %while3A_174 = arith.divsi %while3A_171, %while3A_173 : i32
          %while3A_175 = arith.muli %while3A_174, %while3A_173 : i32
          %while3A_176 = arith.addi %while3A_169, %while3A_175 : i32
          %while3A_177 = arith.constant 1 : i32
          %while3A_178 = scf.for %while3A_243 = %while3A_169 to %while3A_176 step %while3A_177 iter_args(%while3A_244 = %while3A_170) -> (i32)  : i32 {
            %mul3A_245 = arith.constant 16 : i32
            %mul3A_246 = arith.muli %while3A_243, %mul3A_245 : i32
            %get3A_247 = arith.index_cast %mul3A_246 : i32 to index
            %get3A_248 = tpu.vector_load %arg6[%get3A_247] {strides = array<i32>} : memref<2048xi32, #tpu.memory_space<vmem>>, vector<16xi32>,
            %mul3A_249 = arith.constant 16 : i32
            %mul3A_250 = arith.muli %while3A_243, %mul3A_249 : i32
            %add3A_251 = vector.broadcast %mul3A_250 : i32 to vector<16xi32>
            %add3A_252 = arith.addi %add3A_251, %iota3A : vector<16xi32>
            %lt3A_253 = vector.broadcast %while3A_135 : i32 to vector<16xi32>
            %lt3A_254 = arith.cmpi slt, %add3A_252, %lt3A_253 : vector<16xi32>
            %shift_right_arithmetic3A_255 = vector.broadcast %while3A_137 : i32 to vector<16xi32>
            %shift_right_arithmetic3A_256 = arith.shrsi %get3A_248, %shift_right_arithmetic3A_255 : vector<16xi32>
            %and3A_257 = arith.constant 15 : i32
            %and3A_258 = vector.broadcast %and3A_257 : i32 to vector<16xi32>
            %and3A_259 = arith.andi %shift_right_arithmetic3A_256, %and3A_258 : vector<16xi32>
            %add3A_260 = arith.addi %mul3A_5, %and3A_259 : vector<16xi32>
            tpu.vector_store_idx %arg7[%add3A_260], %broadcast_in_dim3A_6 masked %lt3A_254 {add = true} : memref<256xi32, #tpu.memory_space<vmem>>[vector<16xi32>], vector<16xi32>, vector<16xi1>
            %while3A_261 = arith.constant 0 : i32
            scf.yield %while3A_261 : i32
          }
          %while3A_179 = arith.constant 1 : i32
          %while3A_180 = scf.for %while3A_243 = %while3A_176 to %while3A_172 step %while3A_179 iter_args(%while3A_244 = %while3A_178) -> (i32)  : i32 {
            %mul3A_245 = arith.constant 16 : i32
            %mul3A_246 = arith.muli %while3A_243, %mul3A_245 : i32
            %get3A_247 = arith.index_cast %mul3A_246 : i32 to index
            %get3A_248 = tpu.vector_load %arg6[%get3A_247] {strides = array<i32>} : memref<2048xi32, #tpu.memory_space<vmem>>, vector<16xi32>,
            %mul3A_249 = arith.constant 16 : i32
            %mul3A_250 = arith.muli %while3A_243, %mul3A_249 : i32
            %add3A_251 = vector.broadcast %mul3A_250 : i32 to vector<16xi32>
            %add3A_252 = arith.addi %add3A_251, %iota3A : vector<16xi32>
            %lt3A_253 = vector.broadcast %while3A_135 : i32 to vector<16xi32>
            %lt3A_254 = arith.cmpi slt, %add3A_252, %lt3A_253 : vector<16xi32>
            %shift_right_arithmetic3A_255 = vector.broadcast %while3A_137 : i32 to vector<16xi32>
            %shift_right_arithmetic3A_256 = arith.shrsi %get3A_248, %shift_right_arithmetic3A_255 : vector<16xi32>
            %and3A_257 = arith.constant 15 : i32
            %and3A_258 = vector.broadcast %and3A_257 : i32 to vector<16xi32>
            %and3A_259 = arith.andi %shift_right_arithmetic3A_256, %and3A_258 : vector<16xi32>
            %add3A_260 = arith.addi %mul3A_5, %and3A_259 : vector<16xi32>
            tpu.vector_store_idx %arg7[%add3A_260], %broadcast_in_dim3A_6 masked %lt3A_254 {add = true} : memref<256xi32, #tpu.memory_space<vmem>>[vector<16xi32>], vector<16xi32>, vector<16xi1>
            %while3A_261 = arith.constant 0 : i32
            scf.yield %while3A_261 : i32
          }
          %broadcast_in_dim3A_181 = arith.constant 0 : i32
          %broadcast_in_dim3A_182 = vector.broadcast %broadcast_in_dim3A_181 : i32 to vector<16xi32>
          %scan3A_183 = arith.constant 0 : i32
          %scan3A_184 = arith.constant 16 : i32
          %scan3A_185 = arith.addi %scan3A_183, %scan3A_184 : i32
          %scan3A_186 = arith.constant 1 : i32
          %scan3A_187 = scf.for %scan3A_243 = %scan3A_183 to %scan3A_185 step %scan3A_186 iter_args(%scan3A_244 = %broadcast_in_dim3A_182) -> (vector<16xi32>)  : i32 {
            %mul3A_245 = arith.constant 16 : i32
            %mul3A_246 = arith.muli %scan3A_243, %mul3A_245 : i32
            %get3A_247 = arith.index_cast %mul3A_246 : i32 to index
            %get3A_248 = tpu.vector_load %arg7[%get3A_247] {strides = array<i32>} : memref<256xi32, #tpu.memory_space<vmem>>, vector<16xi32>,
            %add3A_249 = arith.addi %scan3A_244, %get3A_248 : vector<16xi32>
            scf.yield %add3A_249 : vector<16xi32>
          }
          %scan3A_188 = arith.constant 16 : i32
          %rev3A_189 = arith.constant 15 : i32
          %rev3A_190 = vector.broadcast %rev3A_189 : i32 to vector<16xi32>
          %rev3A_191 = tpu.iota {dimensions = array<i32: 0>} : vector<16xi32>
          %rev3A_192 = arith.subi %rev3A_190, %rev3A_191 : vector<16xi32>
          %rev3A_193 = tpu.dynamic_gather %scan3A_187[%rev3A_192] in [0] : vector<16xi32>, vector<16xi32> -> vector<16xi32>
          %broadcast_in_dim3A_194 = arith.constant true
          %broadcast_in_dim3A_195 = vector.broadcast %broadcast_in_dim3A_194 : i1 to vector<16xi1>
          %masked_cumsum3A_196 = tpu.scan <sum>, %rev3A_193 masked %broadcast_in_dim3A_195 : vector<16xi32>, vector<16xi1> -> vector<16xi32>
          %ge3A_197 = vector.broadcast %while3A_136 : i32 to vector<16xi32>
          %ge3A_198 = arith.cmpi sge, %masked_cumsum3A_196, %ge3A_197 : vector<16xi32>
          %all_reduce_ffs3A_199 = tpu.all_reduce %ge3A_198 {dim = 0 : i64, kind = #tpu.reduction_kind<find_first_set>} : vector<16xi1> -> vector<16xi32>
          %reduce_max3A_200 = arith.constant true
          %reduce_max3A_201 = vector.broadcast %reduce_max3A_200 : i1 to vector<16xi1>
          %reduce_max3A_202 = arith.constant -2147483648 : i32
          %reduce_max3A_203 = vector.broadcast %reduce_max3A_202 : i32 to vector<16xi32>
          %reduce_max3A_204 = arith.xori %all_reduce_ffs3A_199, %reduce_max3A_203 : vector<16xi32>
          %reduce_max3A_205 = tpu.scan <max>, %reduce_max3A_204 masked %reduce_max3A_201 : vector<16xi32>, vector<16xi1> -> vector<16xi32>
          %reduce_max3A_206 = arith.xori %reduce_max3A_205, %reduce_max3A_203 : vector<16xi32>
          %reduce_max3A_207 = vector.extract %reduce_max3A_206[15] : i32 from vector<16xi32>
          %sub3A_208 = arith.constant 15 : i32
          %sub3A_209 = arith.subi %sub3A_208, %reduce_max3A_207 : i32
          %gt3A_210 = vector.broadcast %sub3A_209 : i32 to vector<16xi32>
          %gt3A_211 = arith.cmpi sgt, %iota3A, %gt3A_210 : vector<16xi32>
          %jit3A_212 = arith.constant 0 : i32
          %broadcast_in_dim3A_213 = vector.broadcast %jit3A_212 : i32 to vector<16xi32>
          %select_n3A_214 = arith.select %gt3A_211, %scan3A_187, %broadcast_in_dim3A_213 : vector<16xi1>, vector<16xi32>
          %reduce_sum3A_215 = arith.constant true
          %reduce_sum3A_216 = vector.broadcast %reduce_sum3A_215 : i1 to vector<16xi1>
          %reduce_sum3A_217 = tpu.scan <sum>, %select_n3A_214 masked %reduce_sum3A_216 : vector<16xi32>, vector<16xi1> -> vector<16xi32>
          %reduce_sum3A_218 = vector.extract %reduce_sum3A_217[15] : i32 from vector<16xi32>
          %eq3A_219 = vector.broadcast %sub3A_209 : i32 to vector<16xi32>
          %eq3A_220 = arith.cmpi eq, %iota3A, %eq3A_219 : vector<16xi32>
          %jit3A_221 = arith.constant 0 : i32
          %broadcast_in_dim3A_222 = vector.broadcast %jit3A_221 : i32 to vector<16xi32>
          %select_n3A_223 = arith.select %eq3A_220, %scan3A_187, %broadcast_in_dim3A_222 : vector<16xi1>, vector<16xi32>
          %reduce_sum3A_224 = arith.constant true
          %reduce_sum3A_225 = vector.broadcast %reduce_sum3A_224 : i1 to vector<16xi1>
          %reduce_sum3A_226 = tpu.scan <sum>, %select_n3A_223 masked %reduce_sum3A_225 : vector<16xi32>, vector<16xi1> -> vector<16xi32>
          %reduce_sum3A_227 = vector.extract %reduce_sum3A_226[15] : i32 from vector<16xi32>
          %while3A_228 = arith.constant 0 : i32
          %while3A_229 = arith.constant 0 : i32
          %while3A_230 = arith.subi %select_n3A_168, %while3A_228 : i32
          %while3A_231 = arith.addi %while3A_228, %while3A_230 : i32
          %while3A_232 = arith.constant 1 : i32
          %while3A_233 = arith.divsi %while3A_230, %while3A_232 : i32
          %while3A_234 = arith.muli %while3A_233, %while3A_232 : i32
          %while3A_235 = arith.addi %while3A_228, %while3A_234 : i32
          %while3A_236 = arith.constant 1 : i32
          %while3A_237 = scf.for %while3A_243 = %while3A_228 to %while3A_235 step %while3A_236 iter_args(%while3A_244 = %while3A_229) -> (i32)  : i32 {
            %mul3A_245 = arith.constant 16 : i32
            %mul3A_246 = arith.muli %while3A_243, %mul3A_245 : i32
            %get3A_247 = arith.index_cast %mul3A_246 : i32 to index
            %get3A_248 = tpu.vector_load %arg6[%get3A_247] {strides = array<i32>} : memref<2048xi32, #tpu.memory_space<vmem>>, vector<16xi32>,
            %mul3A_249 = arith.constant 16 : i32
            %mul3A_250 = arith.muli %while3A_243, %mul3A_249 : i32
            %add3A_251 = vector.broadcast %mul3A_250 : i32 to vector<16xi32>
            %add3A_252 = arith.addi %add3A_251, %iota3A : vector<16xi32>
            %lt3A_253 = vector.broadcast %while3A_135 : i32 to vector<16xi32>
            %lt3A_254 = arith.cmpi slt, %add3A_252, %lt3A_253 : vector<16xi32>
            %shift_right_arithmetic3A_255 = vector.broadcast %while3A_137 : i32 to vector<16xi32>
            %shift_right_arithmetic3A_256 = arith.shrsi %get3A_248, %shift_right_arithmetic3A_255 : vector<16xi32>
            %and3A_257 = arith.constant 15 : i32
            %and3A_258 = vector.broadcast %and3A_257 : i32 to vector<16xi32>
            %and3A_259 = arith.andi %shift_right_arithmetic3A_256, %and3A_258 : vector<16xi32>
            %eq3A_260 = vector.broadcast %sub3A_209 : i32 to vector<16xi32>
            %eq3A_261 = arith.cmpi eq, %and3A_259, %eq3A_260 : vector<16xi32>
            %and3A_262 = arith.andi %lt3A_254, %eq3A_261 : vector<16xi1>
            %swap3A = arith.index_cast %while3A_244 : i32 to index
            %swap3A_263 = tpu.vector_load %arg6[%swap3A] masked %and3A_262 {strides = array<i32>} : memref<2048xi32, #tpu.memory_space<vmem>>, vector<16xi32>, vector<16xi1>
            tpu.vector_store %arg6[%swap3A], %get3A_248 masked %and3A_262 {strides = array<i32>} : memref<2048xi32, #tpu.memory_space<vmem>>, vector<16xi32>, vector<16xi1>
            %all_reduce_population_count3A = tpu.all_reduce %and3A_262 {dim = 0 : i64, kind = #tpu.reduction_kind<sum>} : vector<16xi1> -> vector<16xi32>
            %reduce_max3A_264 = arith.constant true
            %reduce_max3A_265 = vector.broadcast %reduce_max3A_264 : i1 to vector<16xi1>
            %reduce_max3A_266 = arith.constant -2147483648 : i32
            %reduce_max3A_267 = vector.broadcast %reduce_max3A_266 : i32 to vector<16xi32>
            %reduce_max3A_268 = arith.xori %all_reduce_population_count3A, %reduce_max3A_267 : vector<16xi32>
            %reduce_max3A_269 = tpu.scan <max>, %reduce_max3A_268 masked %reduce_max3A_265 : vector<16xi32>, vector<16xi1> -> vector<16xi32>
            %reduce_max3A_270 = arith.xori %reduce_max3A_269, %reduce_max3A_267 : vector<16xi32>
            %reduce_max3A_271 = vector.extract %reduce_max3A_270[15] : i32 from vector<16xi32>
            %add3A_272 = arith.addi %while3A_244, %reduce_max3A_271 : i32
            scf.yield %add3A_272 : i32
          }
          %while3A_238 = arith.constant 1 : i32
          %while3A_239 = scf.for %while3A_243 = %while3A_235 to %while3A_231 step %while3A_238 iter_args(%while3A_244 = %while3A_237) -> (i32)  : i32 {
            %mul3A_245 = arith.constant 16 : i32
            %mul3A_246 = arith.muli %while3A_243, %mul3A_245 : i32
            %get3A_247 = arith.index_cast %mul3A_246 : i32 to index
            %get3A_248 = tpu.vector_load %arg6[%get3A_247] {strides = array<i32>} : memref<2048xi32, #tpu.memory_space<vmem>>, vector<16xi32>,
            %mul3A_249 = arith.constant 16 : i32
            %mul3A_250 = arith.muli %while3A_243, %mul3A_249 : i32
            %add3A_251 = vector.broadcast %mul3A_250 : i32 to vector<16xi32>
            %add3A_252 = arith.addi %add3A_251, %iota3A : vector<16xi32>
            %lt3A_253 = vector.broadcast %while3A_135 : i32 to vector<16xi32>
            %lt3A_254 = arith.cmpi slt, %add3A_252, %lt3A_253 : vector<16xi32>
            %shift_right_arithmetic3A_255 = vector.broadcast %while3A_137 : i32 to vector<16xi32>
            %shift_right_arithmetic3A_256 = arith.shrsi %get3A_248, %shift_right_arithmetic3A_255 : vector<16xi32>
            %and3A_257 = arith.constant 15 : i32
            %and3A_258 = vector.broadcast %and3A_257 : i32 to vector<16xi32>
            %and3A_259 = arith.andi %shift_right_arithmetic3A_256, %and3A_258 : vector<16xi32>
            %eq3A_260 = vector.broadcast %sub3A_209 : i32 to vector<16xi32>
            %eq3A_261 = arith.cmpi eq, %and3A_259, %eq3A_260 : vector<16xi32>
            %and3A_262 = arith.andi %lt3A_254, %eq3A_261 : vector<16xi1>
            %swap3A = arith.index_cast %while3A_244 : i32 to index
            %swap3A_263 = tpu.vector_load %arg6[%swap3A] masked %and3A_262 {strides = array<i32>} : memref<2048xi32, #tpu.memory_space<vmem>>, vector<16xi32>, vector<16xi1>
            tpu.vector_store %arg6[%swap3A], %get3A_248 masked %and3A_262 {strides = array<i32>} : memref<2048xi32, #tpu.memory_space<vmem>>, vector<16xi32>, vector<16xi1>
            %all_reduce_population_count3A = tpu.all_reduce %and3A_262 {dim = 0 : i64, kind = #tpu.reduction_kind<sum>} : vector<16xi1> -> vector<16xi32>
            %reduce_max3A_264 = arith.constant true
            %reduce_max3A_265 = vector.broadcast %reduce_max3A_264 : i1 to vector<16xi1>
            %reduce_max3A_266 = arith.constant -2147483648 : i32
            %reduce_max3A_267 = vector.broadcast %reduce_max3A_266 : i32 to vector<16xi32>
            %reduce_max3A_268 = arith.xori %all_reduce_population_count3A, %reduce_max3A_267 : vector<16xi32>
            %reduce_max3A_269 = tpu.scan <max>, %reduce_max3A_268 masked %reduce_max3A_265 : vector<16xi32>, vector<16xi1> -> vector<16xi32>
            %reduce_max3A_270 = arith.xori %reduce_max3A_269, %reduce_max3A_267 : vector<16xi32>
            %reduce_max3A_271 = vector.extract %reduce_max3A_270[15] : i32 from vector<16xi32>
            %add3A_272 = arith.addi %while3A_244, %reduce_max3A_271 : i32
            scf.yield %add3A_272 : i32
          }
          %sub3A_240 = arith.subi %while3A_136, %reduce_sum3A_218 : i32
          %sub3A_241 = arith.constant 4 : i32
          %sub3A_242 = arith.subi %while3A_137, %sub3A_241 : i32
          scf.yield %reduce_sum3A_227, %sub3A_240, %sub3A_242 : i32, i32, i32
        }
        %get3A = arith.constant 0 : index
        %get3A_82 = tpu.vector_load %arg6[%get3A] {strides = array<i32>} : memref<2048xi32, #tpu.memory_space<vmem>>, vector<16xi32>,
        %lt3A = vector.broadcast %while3A_81#0 : i32 to vector<16xi32>
        %lt3A_83 = arith.cmpi slt, %iota3A, %lt3A : vector<16xi32>
        %jit3A_84 = arith.constant -2147483648 : i32
        %broadcast_in_dim3A_85 = vector.broadcast %jit3A_84 : i32 to vector<16xi32>
        %select_n3A_86 = arith.select %lt3A_83, %get3A_82, %broadcast_in_dim3A_85 : vector<16xi1>, vector<16xi32>
        %masked_sort3A = arith.constant dense<true> : vector<16xi1>
        %masked_sort3A_87 = arith.constant -2147483648 : i32
        %masked_sort3A_88 = vector.broadcast %masked_sort3A_87 : i32 to vector<16xi32>
        %masked_sort3A_89 = arith.xori %select_n3A_86, %masked_sort3A_88 : vector<16xi32>
        %masked_sort3A_90, %masked_sort3A_91, %masked_sort3A_92 = tpu.sort %masked_sort3A_89, %select_n3A_86 masked %masked_sort3A {descending = true} : (vector<16xi32>, vector<16xi32>, vector<16xi1>) -> (vector<16xi1>, vector<16xi32>, vector<16xi32>)
        %masked_sort3A_93 = arith.xori %masked_sort3A_91, %masked_sort3A_88 : vector<16xi32>
        %sub3A_94 = arith.constant 1 : i32
        %sub3A_95 = arith.subi %while3A_81#1, %sub3A_94 : i32
        %eq3A_96 = vector.broadcast %sub3A_95 : i32 to vector<16xi32>
        %eq3A_97 = arith.cmpi eq, %iota3A, %eq3A_96 : vector<16xi32>
        %jit3A_98 = arith.constant -2147483648 : i32
        %broadcast_in_dim3A_99 = vector.broadcast %jit3A_98 : i32 to vector<16xi32>
        %select_n3A_100 = arith.select %eq3A_97, %masked_sort3A_93, %broadcast_in_dim3A_99 : vector<16xi1>, vector<16xi32>
        %reduce_max3A_101 = arith.constant true
        %reduce_max3A_102 = vector.broadcast %reduce_max3A_101 : i1 to vector<16xi1>
        %reduce_max3A_103 = arith.constant -2147483648 : i32
        %reduce_max3A_104 = vector.broadcast %reduce_max3A_103 : i32 to vector<16xi32>
        %reduce_max3A_105 = arith.xori %select_n3A_100, %reduce_max3A_104 : vector<16xi32>
        %reduce_max3A_106 = tpu.scan <max>, %reduce_max3A_105 masked %reduce_max3A_102 : vector<16xi32>, vector<16xi1> -> vector<16xi32>
        %reduce_max3A_107 = arith.xori %reduce_max3A_106, %reduce_max3A_104 : vector<16xi32>
        %reduce_max3A_108 = vector.extract %reduce_max3A_107[15] : i32 from vector<16xi32>
        %gt3A_109 = arith.constant 16 : i32
        %gt3A_110 = arith.cmpi sgt, %while3A_81#0, %gt3A_109 : i32
        %eq3A_111 = arith.constant 0 : i32
        %eq3A_112 = vector.broadcast %eq3A_111 : i32 to vector<16xi32>
        %eq3A_113 = arith.cmpi eq, %iota3A, %eq3A_112 : vector<16xi32>
        %jit3A_114 = arith.constant -2147483648 : i32
        %broadcast_in_dim3A_115 = vector.broadcast %jit3A_114 : i32 to vector<16xi32>
        %select_n3A_116 = arith.select %eq3A_113, %get3A_82, %broadcast_in_dim3A_115 : vector<16xi1>, vector<16xi32>
        %reduce_max3A_117 = arith.constant true
        %reduce_max3A_118 = vector.broadcast %reduce_max3A_117 : i1 to vector<16xi1>
        %reduce_max3A_119 = arith.constant -2147483648 : i32
        %reduce_max3A_120 = vector.broadcast %reduce_max3A_119 : i32 to vector<16xi32>
        %reduce_max3A_121 = arith.xori %select_n3A_116, %reduce_max3A_120 : vector<16xi32>
        %reduce_max3A_122 = tpu.scan <max>, %reduce_max3A_121 masked %reduce_max3A_118 : vector<16xi32>, vector<16xi1> -> vector<16xi32>
        %reduce_max3A_123 = arith.xori %reduce_max3A_122, %reduce_max3A_120 : vector<16xi32>
        %reduce_max3A_124 = vector.extract %reduce_max3A_123[15] : i32 from vector<16xi32>
        %select_n3A_125 = arith.select %gt3A_110, %reduce_max3A_124, %reduce_max3A_108 : i32
        %broadcast_in_dim3A_126 = vector.broadcast %select_n3A_125 : i32 to vector<16xi32>
        %shift_right_arithmetic3A = arith.constant 31 : i32
        %shift_right_arithmetic3A_127 = vector.broadcast %shift_right_arithmetic3A : i32 to vector<16xi32>
        %shift_right_arithmetic3A_128 = arith.shrsi %broadcast_in_dim3A_126, %shift_right_arithmetic3A_127 : vector<16xi32>
        %and3A = arith.constant 2147483647 : i32
        %and3A_129 = vector.broadcast %and3A : i32 to vector<16xi32>
        %and3A_130 = arith.andi %shift_right_arithmetic3A_128, %and3A_129 : vector<16xi32>
        %xor3A = arith.xori %broadcast_in_dim3A_126, %and3A_130 : vector<16xi32>
        %bitcast_convert_type3A = tpu.bitcast %xor3A : vector<16xi32> -> vector<16xf32>
        %parallel_loop3A_131 = arith.constant 0 : i32
        %parallel_loop3A_132 = arith.constant 128 : i32
        %parallel_loop3A_133 = arith.constant 1 : i32
        scf.for %parallel_loop3A_135 = %parallel_loop3A_131 to %parallel_loop3A_132 step %parallel_loop3A_133  : i32 {
          %parallel_loop3A_136 = arith.constant 16 : i32
          %parallel_loop3A_137 = arith.muli %parallel_loop3A_135, %parallel_loop3A_136 : i32
          %parallel_loop3A_138 = arith.index_cast %scan3A_26 : i32 to index
          %parallel_loop3A_139 = arith.index_cast %parallel_loop3A_137 : i32 to index
          %parallel_loop3A_140 = tpu.vector_load %arg4[%parallel_loop3A_138, %parallel_loop3A_139] {strides = array<i32>} : memref<16x2048xf32, #tpu.memory_space<vmem>>, vector<16xf32>,
          %parallel_loop3A_141 = arith.cmpf oge, %parallel_loop3A_140, %bitcast_convert_type3A : vector<16xf32>
          %parallel_loop3A_142 = arith.constant 0.000000e+00 : f32
          %parallel_loop3A_143 = vector.broadcast %parallel_loop3A_142 : f32 to vector<16xf32>
          %parallel_loop3A_144 = arith.select %parallel_loop3A_141, %parallel_loop3A_140, %parallel_loop3A_143 : vector<16xi1>, vector<16xf32>
          %parallel_loop3A_145 = arith.constant 16 : i32
          %parallel_loop3A_146 = arith.muli %parallel_loop3A_135, %parallel_loop3A_145 : i32
          %parallel_loop3A_147 = arith.index_cast %scan3A_26 : i32 to index
          %parallel_loop3A_148 = arith.index_cast %parallel_loop3A_146 : i32 to index
          %parallel_loop3A_149 = tpu.vector_load %arg4[%parallel_loop3A_147, %parallel_loop3A_148] {strides = array<i32>} : memref<16x2048xf32, #tpu.memory_space<vmem>>, vector<16xf32>,
          tpu.vector_store %arg4[%parallel_loop3A_147, %parallel_loop3A_148], %parallel_loop3A_144 {strides = array<i32>} : memref<16x2048xf32, #tpu.memory_space<vmem>>, vector<16xf32>,
        } {sc.loop_unroll_factor = 8 : i64, sc.parallel_access}
        %scan3A_134 = arith.constant 0 : i32
        scf.yield %scan3A_134 : i32
      }
      %scan3A_24 = arith.constant 16 : i32
      "tpu.region"() ({
        %run_scoped3A = tpu.sem_alloc : memref<!tpu.dma_semaphore, #tpu.memory_space<semaphore_mem>>
        %dma_start3A = arith.constant 0 : i32
        %dma_start3A_26 = tpu.memref_slice %arg3[%add3A_17, %dma_start3A] : memref<19456x2048xf32, #tpu.memory_space<hbm>> -> memref<16x2048xf32, #tpu.memory_space<hbm>>
        %dma_start3A_27 = arith.constant 0 : i32
        %dma_start3A_28 = tpu.memref_slice %arg3[%add3A_17, %dma_start3A_27] : memref<19456x2048xf32, #tpu.memory_space<hbm>> -> memref<16x2048xf32, #tpu.memory_space<hbm>>
        tpu.enqueue_dma source(%arg4 : memref<16x2048xf32, #tpu.memory_space<vmem>>) target(%dma_start3A_28 : memref<16x2048xf32, #tpu.memory_space<hbm>>) target_semaphore(%run_scoped3A : memref<!tpu.dma_semaphore, #tpu.memory_space<semaphore_mem>>)
        %dma_wait3A = arith.constant 0 : i32
        %dma_wait3A_29 = tpu.memref_slice %arg3[%add3A_17, %dma_wait3A] : memref<19456x2048xf32, #tpu.memory_space<hbm>> -> memref<16x2048xf32, #tpu.memory_space<hbm>>
        %dma_wait3A_30 = arith.constant 0 : i32
        %dma_wait3A_31 = tpu.memref_slice %arg3[%add3A_17, %dma_wait3A_30] : memref<19456x2048xf32, #tpu.memory_space<hbm>> -> memref<16x2048xf32, #tpu.memory_space<hbm>>
        tpu.wait_dma2 semaphore(%run_scoped3A : memref<!tpu.dma_semaphore, #tpu.memory_space<semaphore_mem>>) src(%arg4 : memref<16x2048xf32, #tpu.memory_space<vmem>>) dst(%dma_wait3A_31 : memref<16x2048xf32, #tpu.memory_space<hbm>>)
        tpu.yield
      }) : () -> ()
      %scan3A_25 = arith.constant 0 : i32
      scf.yield %scan3A_25 : i32
    }
    %scan3A_12 = arith.constant 38 : i32
    return
  }
}

module attributes {stable_mosaic.version = 14 : i64} {
  func.func @_tc_mask_kernel(%arg0: i32, %arg1: memref<256x2048xf32, #tpu.memory_space<vmem>>, %arg2: memref<256x2048xf32, #tpu.memory_space<vmem>>) attributes {dimension_semantics = [#tpu.dimension_semantics<arbitrary>], iteration_bounds = array<i64: 116>, scalar_prefetch = 0 : i64, scratch_operands = 0 : i64, tpu.core_type = #tpu.core_type<tc>, window_params = [{transform_indices = @transform_0, window_bounds = array<i64: 256, 2048>}, {transform_indices = @transform_1, window_bounds = array<i64: 256, 2048>}]} {
    %get3A = arith.constant 0 : index
    %get3A_0 = arith.constant 0 : index
    %get3A_1 = vector.load %arg1[%get3A, %get3A_0] : memref<256x2048xf32, #tpu.memory_space<vmem>>, vector<256x2048xf32>
    %bitcast_convert_type3A = tpu.bitcast %get3A_1 : vector<256x2048xf32> -> vector<256x2048xi32>
    %shift_right_logical3A = arith.constant 31 : i32
    %shift_right_logical3A_2 = vector.broadcast %shift_right_logical3A : i32 to vector<256x2048xi32>
    %shift_right_logical3A_3 = arith.shrui %bitcast_convert_type3A, %shift_right_logical3A_2 : vector<256x2048xi32>
    %eq3A = arith.constant 1 : i32
    %eq3A_4 = vector.broadcast %eq3A : i32 to vector<256x2048xi32>
    %eq3A_5 = arith.cmpi eq, %shift_right_logical3A_3, %eq3A_4 : vector<256x2048xi32>
    %jit3A = arith.constant -1 : i32
    %jit3A_6 = arith.constant -2147483648 : i32
    %broadcast_in_dim3A = vector.broadcast %jit3A : i32 to vector<256x2048xi32>
    %broadcast_in_dim3A_7 = vector.broadcast %jit3A_6 : i32 to vector<256x2048xi32>
    %select_n3A = arith.select %eq3A_5, %broadcast_in_dim3A, %broadcast_in_dim3A_7 : vector<256x2048xi1>, vector<256x2048xi32>
    %xor3A = arith.xori %bitcast_convert_type3A, %select_n3A : vector<256x2048xi32>
    %broadcast_in_dim3A_8 = arith.constant 0 : i32
    %broadcast_in_dim3A_9 = vector.broadcast %broadcast_in_dim3A_8 : i32 to vector<256x1xi32>
    %or3A = arith.constant -2147483648 : i32
    %or3A_10 = vector.broadcast %or3A : i32 to vector<256x1xi32>
    %or3A_11 = arith.ori %broadcast_in_dim3A_9, %or3A_10 : vector<256x1xi32>
    %ge3A = vector.broadcast %or3A_11 : vector<256x1xi32> to vector<256x2048xi32>
    %ge3A_12 = arith.cmpi uge, %xor3A, %ge3A : vector<256x2048xi32>
    %jit3A_13 = arith.constant 1 : i32
    %jit3A_14 = arith.constant 0 : i32
    %broadcast_in_dim3A_15 = vector.broadcast %jit3A_13 : i32 to vector<256x2048xi32>
    %broadcast_in_dim3A_16 = vector.broadcast %jit3A_14 : i32 to vector<256x2048xi32>
    %select_n3A_17 = arith.select %ge3A_12, %broadcast_in_dim3A_15, %broadcast_in_dim3A_16 : vector<256x2048xi1>, vector<256x2048xi32>
    %convert_element_type3A = arith.sitofp %select_n3A_17 : vector<256x2048xi32> to vector<256x2048xf32>
    %reduce_sum3A = arith.constant dense<0.000000e+00> : vector<256xf32>
    %reduce_sum3A_18 = vector.multi_reduction <add>, %convert_element_type3A, %reduce_sum3A [1] : vector<256x2048xf32> to vector<256xf32>
    %broadcast_in_dim3A_19 = vector.shape_cast %reduce_sum3A_18 : vector<256xf32> to vector<256x1xf32>
    %ge3A_20 = arith.constant 3.200000e+01 : f32
    %ge3A_21 = vector.broadcast %ge3A_20 : f32 to vector<256x1xf32>
    %ge3A_22 = arith.cmpf oge, %broadcast_in_dim3A_19, %ge3A_21 : vector<256x1xf32>
    %select_n3A_23 = arith.select %ge3A_22, %or3A_11, %broadcast_in_dim3A_9 : vector<256x1xi1>, vector<256x1xi32>
    %or3A_24 = arith.constant 1073741824 : i32
    %or3A_25 = vector.broadcast %or3A_24 : i32 to vector<256x1xi32>
    %or3A_26 = arith.ori %select_n3A_23, %or3A_25 : vector<256x1xi32>
    %ge3A_27 = vector.broadcast %or3A_26 : vector<256x1xi32> to vector<256x2048xi32>
    %ge3A_28 = arith.cmpi uge, %xor3A, %ge3A_27 : vector<256x2048xi32>
    %jit3A_29 = arith.constant 1 : i32
    %jit3A_30 = arith.constant 0 : i32
    %broadcast_in_dim3A_31 = vector.broadcast %jit3A_29 : i32 to vector<256x2048xi32>
    %broadcast_in_dim3A_32 = vector.broadcast %jit3A_30 : i32 to vector<256x2048xi32>
    %select_n3A_33 = arith.select %ge3A_28, %broadcast_in_dim3A_31, %broadcast_in_dim3A_32 : vector<256x2048xi1>, vector<256x2048xi32>
    %convert_element_type3A_34 = arith.sitofp %select_n3A_33 : vector<256x2048xi32> to vector<256x2048xf32>
    %reduce_sum3A_35 = arith.constant dense<0.000000e+00> : vector<256xf32>
    %reduce_sum3A_36 = vector.multi_reduction <add>, %convert_element_type3A_34, %reduce_sum3A_35 [1] : vector<256x2048xf32> to vector<256xf32>
    %broadcast_in_dim3A_37 = vector.shape_cast %reduce_sum3A_36 : vector<256xf32> to vector<256x1xf32>
    %ge3A_38 = arith.constant 3.200000e+01 : f32
    %ge3A_39 = vector.broadcast %ge3A_38 : f32 to vector<256x1xf32>
    %ge3A_40 = arith.cmpf oge, %broadcast_in_dim3A_37, %ge3A_39 : vector<256x1xf32>
    %select_n3A_41 = arith.select %ge3A_40, %or3A_26, %select_n3A_23 : vector<256x1xi1>, vector<256x1xi32>
    %or3A_42 = arith.constant 536870912 : i32
    %or3A_43 = vector.broadcast %or3A_42 : i32 to vector<256x1xi32>
    %or3A_44 = arith.ori %select_n3A_41, %or3A_43 : vector<256x1xi32>
    %ge3A_45 = vector.broadcast %or3A_44 : vector<256x1xi32> to vector<256x2048xi32>
    %ge3A_46 = arith.cmpi uge, %xor3A, %ge3A_45 : vector<256x2048xi32>
    %jit3A_47 = arith.constant 1 : i32
    %jit3A_48 = arith.constant 0 : i32
    %broadcast_in_dim3A_49 = vector.broadcast %jit3A_47 : i32 to vector<256x2048xi32>
    %broadcast_in_dim3A_50 = vector.broadcast %jit3A_48 : i32 to vector<256x2048xi32>
    %select_n3A_51 = arith.select %ge3A_46, %broadcast_in_dim3A_49, %broadcast_in_dim3A_50 : vector<256x2048xi1>, vector<256x2048xi32>
    %convert_element_type3A_52 = arith.sitofp %select_n3A_51 : vector<256x2048xi32> to vector<256x2048xf32>
    %reduce_sum3A_53 = arith.constant dense<0.000000e+00> : vector<256xf32>
    %reduce_sum3A_54 = vector.multi_reduction <add>, %convert_element_type3A_52, %reduce_sum3A_53 [1] : vector<256x2048xf32> to vector<256xf32>
    %broadcast_in_dim3A_55 = vector.shape_cast %reduce_sum3A_54 : vector<256xf32> to vector<256x1xf32>
    %ge3A_56 = arith.constant 3.200000e+01 : f32
    %ge3A_57 = vector.broadcast %ge3A_56 : f32 to vector<256x1xf32>
    %ge3A_58 = arith.cmpf oge, %broadcast_in_dim3A_55, %ge3A_57 : vector<256x1xf32>
    %select_n3A_59 = arith.select %ge3A_58, %or3A_44, %select_n3A_41 : vector<256x1xi1>, vector<256x1xi32>
    %or3A_60 = arith.constant 268435456 : i32
    %or3A_61 = vector.broadcast %or3A_60 : i32 to vector<256x1xi32>
    %or3A_62 = arith.ori %select_n3A_59, %or3A_61 : vector<256x1xi32>
    %ge3A_63 = vector.broadcast %or3A_62 : vector<256x1xi32> to vector<256x2048xi32>
    %ge3A_64 = arith.cmpi uge, %xor3A, %ge3A_63 : vector<256x2048xi32>
    %jit3A_65 = arith.constant 1 : i32
    %jit3A_66 = arith.constant 0 : i32
    %broadcast_in_dim3A_67 = vector.broadcast %jit3A_65 : i32 to vector<256x2048xi32>
    %broadcast_in_dim3A_68 = vector.broadcast %jit3A_66 : i32 to vector<256x2048xi32>
    %select_n3A_69 = arith.select %ge3A_64, %broadcast_in_dim3A_67, %broadcast_in_dim3A_68 : vector<256x2048xi1>, vector<256x2048xi32>
    %convert_element_type3A_70 = arith.sitofp %select_n3A_69 : vector<256x2048xi32> to vector<256x2048xf32>
    %reduce_sum3A_71 = arith.constant dense<0.000000e+00> : vector<256xf32>
    %reduce_sum3A_72 = vector.multi_reduction <add>, %convert_element_type3A_70, %reduce_sum3A_71 [1] : vector<256x2048xf32> to vector<256xf32>
    %broadcast_in_dim3A_73 = vector.shape_cast %reduce_sum3A_72 : vector<256xf32> to vector<256x1xf32>
    %ge3A_74 = arith.constant 3.200000e+01 : f32
    %ge3A_75 = vector.broadcast %ge3A_74 : f32 to vector<256x1xf32>
    %ge3A_76 = arith.cmpf oge, %broadcast_in_dim3A_73, %ge3A_75 : vector<256x1xf32>
    %select_n3A_77 = arith.select %ge3A_76, %or3A_62, %select_n3A_59 : vector<256x1xi1>, vector<256x1xi32>
    %or3A_78 = arith.constant 134217728 : i32
    %or3A_79 = vector.broadcast %or3A_78 : i32 to vector<256x1xi32>
    %or3A_80 = arith.ori %select_n3A_77, %or3A_79 : vector<256x1xi32>
    %ge3A_81 = vector.broadcast %or3A_80 : vector<256x1xi32> to vector<256x2048xi32>
    %ge3A_82 = arith.cmpi uge, %xor3A, %ge3A_81 : vector<256x2048xi32>
    %jit3A_83 = arith.constant 1 : i32
    %jit3A_84 = arith.constant 0 : i32
    %broadcast_in_dim3A_85 = vector.broadcast %jit3A_83 : i32 to vector<256x2048xi32>
    %broadcast_in_dim3A_86 = vector.broadcast %jit3A_84 : i32 to vector<256x2048xi32>
    %select_n3A_87 = arith.select %ge3A_82, %broadcast_in_dim3A_85, %broadcast_in_dim3A_86 : vector<256x2048xi1>, vector<256x2048xi32>
    %convert_element_type3A_88 = arith.sitofp %select_n3A_87 : vector<256x2048xi32> to vector<256x2048xf32>
    %reduce_sum3A_89 = arith.constant dense<0.000000e+00> : vector<256xf32>
    %reduce_sum3A_90 = vector.multi_reduction <add>, %convert_element_type3A_88, %reduce_sum3A_89 [1] : vector<256x2048xf32> to vector<256xf32>
    %broadcast_in_dim3A_91 = vector.shape_cast %reduce_sum3A_90 : vector<256xf32> to vector<256x1xf32>
    %ge3A_92 = arith.constant 3.200000e+01 : f32
    %ge3A_93 = vector.broadcast %ge3A_92 : f32 to vector<256x1xf32>
    %ge3A_94 = arith.cmpf oge, %broadcast_in_dim3A_91, %ge3A_93 : vector<256x1xf32>
    %select_n3A_95 = arith.select %ge3A_94, %or3A_80, %select_n3A_77 : vector<256x1xi1>, vector<256x1xi32>
    %or3A_96 = arith.constant 67108864 : i32
    %or3A_97 = vector.broadcast %or3A_96 : i32 to vector<256x1xi32>
    %or3A_98 = arith.ori %select_n3A_95, %or3A_97 : vector<256x1xi32>
    %ge3A_99 = vector.broadcast %or3A_98 : vector<256x1xi32> to vector<256x2048xi32>
    %ge3A_100 = arith.cmpi uge, %xor3A, %ge3A_99 : vector<256x2048xi32>
    %jit3A_101 = arith.constant 1 : i32
    %jit3A_102 = arith.constant 0 : i32
    %broadcast_in_dim3A_103 = vector.broadcast %jit3A_101 : i32 to vector<256x2048xi32>
    %broadcast_in_dim3A_104 = vector.broadcast %jit3A_102 : i32 to vector<256x2048xi32>
    %select_n3A_105 = arith.select %ge3A_100, %broadcast_in_dim3A_103, %broadcast_in_dim3A_104 : vector<256x2048xi1>, vector<256x2048xi32>
    %convert_element_type3A_106 = arith.sitofp %select_n3A_105 : vector<256x2048xi32> to vector<256x2048xf32>
    %reduce_sum3A_107 = arith.constant dense<0.000000e+00> : vector<256xf32>
    %reduce_sum3A_108 = vector.multi_reduction <add>, %convert_element_type3A_106, %reduce_sum3A_107 [1] : vector<256x2048xf32> to vector<256xf32>
    %broadcast_in_dim3A_109 = vector.shape_cast %reduce_sum3A_108 : vector<256xf32> to vector<256x1xf32>
    %ge3A_110 = arith.constant 3.200000e+01 : f32
    %ge3A_111 = vector.broadcast %ge3A_110 : f32 to vector<256x1xf32>
    %ge3A_112 = arith.cmpf oge, %broadcast_in_dim3A_109, %ge3A_111 : vector<256x1xf32>
    %select_n3A_113 = arith.select %ge3A_112, %or3A_98, %select_n3A_95 : vector<256x1xi1>, vector<256x1xi32>
    %or3A_114 = arith.constant 33554432 : i32
    %or3A_115 = vector.broadcast %or3A_114 : i32 to vector<256x1xi32>
    %or3A_116 = arith.ori %select_n3A_113, %or3A_115 : vector<256x1xi32>
    %ge3A_117 = vector.broadcast %or3A_116 : vector<256x1xi32> to vector<256x2048xi32>
    %ge3A_118 = arith.cmpi uge, %xor3A, %ge3A_117 : vector<256x2048xi32>
    %jit3A_119 = arith.constant 1 : i32
    %jit3A_120 = arith.constant 0 : i32
    %broadcast_in_dim3A_121 = vector.broadcast %jit3A_119 : i32 to vector<256x2048xi32>
    %broadcast_in_dim3A_122 = vector.broadcast %jit3A_120 : i32 to vector<256x2048xi32>
    %select_n3A_123 = arith.select %ge3A_118, %broadcast_in_dim3A_121, %broadcast_in_dim3A_122 : vector<256x2048xi1>, vector<256x2048xi32>
    %convert_element_type3A_124 = arith.sitofp %select_n3A_123 : vector<256x2048xi32> to vector<256x2048xf32>
    %reduce_sum3A_125 = arith.constant dense<0.000000e+00> : vector<256xf32>
    %reduce_sum3A_126 = vector.multi_reduction <add>, %convert_element_type3A_124, %reduce_sum3A_125 [1] : vector<256x2048xf32> to vector<256xf32>
    %broadcast_in_dim3A_127 = vector.shape_cast %reduce_sum3A_126 : vector<256xf32> to vector<256x1xf32>
    %ge3A_128 = arith.constant 3.200000e+01 : f32
    %ge3A_129 = vector.broadcast %ge3A_128 : f32 to vector<256x1xf32>
    %ge3A_130 = arith.cmpf oge, %broadcast_in_dim3A_127, %ge3A_129 : vector<256x1xf32>
    %select_n3A_131 = arith.select %ge3A_130, %or3A_116, %select_n3A_113 : vector<256x1xi1>, vector<256x1xi32>
    %or3A_132 = arith.constant 16777216 : i32
    %or3A_133 = vector.broadcast %or3A_132 : i32 to vector<256x1xi32>
    %or3A_134 = arith.ori %select_n3A_131, %or3A_133 : vector<256x1xi32>
    %ge3A_135 = vector.broadcast %or3A_134 : vector<256x1xi32> to vector<256x2048xi32>
    %ge3A_136 = arith.cmpi uge, %xor3A, %ge3A_135 : vector<256x2048xi32>
    %jit3A_137 = arith.constant 1 : i32
    %jit3A_138 = arith.constant 0 : i32
    %broadcast_in_dim3A_139 = vector.broadcast %jit3A_137 : i32 to vector<256x2048xi32>
    %broadcast_in_dim3A_140 = vector.broadcast %jit3A_138 : i32 to vector<256x2048xi32>
    %select_n3A_141 = arith.select %ge3A_136, %broadcast_in_dim3A_139, %broadcast_in_dim3A_140 : vector<256x2048xi1>, vector<256x2048xi32>
    %convert_element_type3A_142 = arith.sitofp %select_n3A_141 : vector<256x2048xi32> to vector<256x2048xf32>
    %reduce_sum3A_143 = arith.constant dense<0.000000e+00> : vector<256xf32>
    %reduce_sum3A_144 = vector.multi_reduction <add>, %convert_element_type3A_142, %reduce_sum3A_143 [1] : vector<256x2048xf32> to vector<256xf32>
    %broadcast_in_dim3A_145 = vector.shape_cast %reduce_sum3A_144 : vector<256xf32> to vector<256x1xf32>
    %ge3A_146 = arith.constant 3.200000e+01 : f32
    %ge3A_147 = vector.broadcast %ge3A_146 : f32 to vector<256x1xf32>
    %ge3A_148 = arith.cmpf oge, %broadcast_in_dim3A_145, %ge3A_147 : vector<256x1xf32>
    %select_n3A_149 = arith.select %ge3A_148, %or3A_134, %select_n3A_131 : vector<256x1xi1>, vector<256x1xi32>
    %or3A_150 = arith.constant 8388608 : i32
    %or3A_151 = vector.broadcast %or3A_150 : i32 to vector<256x1xi32>
    %or3A_152 = arith.ori %select_n3A_149, %or3A_151 : vector<256x1xi32>
    %ge3A_153 = vector.broadcast %or3A_152 : vector<256x1xi32> to vector<256x2048xi32>
    %ge3A_154 = arith.cmpi uge, %xor3A, %ge3A_153 : vector<256x2048xi32>
    %jit3A_155 = arith.constant 1 : i32
    %jit3A_156 = arith.constant 0 : i32
    %broadcast_in_dim3A_157 = vector.broadcast %jit3A_155 : i32 to vector<256x2048xi32>
    %broadcast_in_dim3A_158 = vector.broadcast %jit3A_156 : i32 to vector<256x2048xi32>
    %select_n3A_159 = arith.select %ge3A_154, %broadcast_in_dim3A_157, %broadcast_in_dim3A_158 : vector<256x2048xi1>, vector<256x2048xi32>
    %convert_element_type3A_160 = arith.sitofp %select_n3A_159 : vector<256x2048xi32> to vector<256x2048xf32>
    %reduce_sum3A_161 = arith.constant dense<0.000000e+00> : vector<256xf32>
    %reduce_sum3A_162 = vector.multi_reduction <add>, %convert_element_type3A_160, %reduce_sum3A_161 [1] : vector<256x2048xf32> to vector<256xf32>
    %broadcast_in_dim3A_163 = vector.shape_cast %reduce_sum3A_162 : vector<256xf32> to vector<256x1xf32>
    %ge3A_164 = arith.constant 3.200000e+01 : f32
    %ge3A_165 = vector.broadcast %ge3A_164 : f32 to vector<256x1xf32>
    %ge3A_166 = arith.cmpf oge, %broadcast_in_dim3A_163, %ge3A_165 : vector<256x1xf32>
    %select_n3A_167 = arith.select %ge3A_166, %or3A_152, %select_n3A_149 : vector<256x1xi1>, vector<256x1xi32>
    %or3A_168 = arith.constant 4194304 : i32
    %or3A_169 = vector.broadcast %or3A_168 : i32 to vector<256x1xi32>
    %or3A_170 = arith.ori %select_n3A_167, %or3A_169 : vector<256x1xi32>
    %ge3A_171 = vector.broadcast %or3A_170 : vector<256x1xi32> to vector<256x2048xi32>
    %ge3A_172 = arith.cmpi uge, %xor3A, %ge3A_171 : vector<256x2048xi32>
    %jit3A_173 = arith.constant 1 : i32
    %jit3A_174 = arith.constant 0 : i32
    %broadcast_in_dim3A_175 = vector.broadcast %jit3A_173 : i32 to vector<256x2048xi32>
    %broadcast_in_dim3A_176 = vector.broadcast %jit3A_174 : i32 to vector<256x2048xi32>
    %select_n3A_177 = arith.select %ge3A_172, %broadcast_in_dim3A_175, %broadcast_in_dim3A_176 : vector<256x2048xi1>, vector<256x2048xi32>
    %convert_element_type3A_178 = arith.sitofp %select_n3A_177 : vector<256x2048xi32> to vector<256x2048xf32>
    %reduce_sum3A_179 = arith.constant dense<0.000000e+00> : vector<256xf32>
    %reduce_sum3A_180 = vector.multi_reduction <add>, %convert_element_type3A_178, %reduce_sum3A_179 [1] : vector<256x2048xf32> to vector<256xf32>
    %broadcast_in_dim3A_181 = vector.shape_cast %reduce_sum3A_180 : vector<256xf32> to vector<256x1xf32>
    %ge3A_182 = arith.constant 3.200000e+01 : f32
    %ge3A_183 = vector.broadcast %ge3A_182 : f32 to vector<256x1xf32>
    %ge3A_184 = arith.cmpf oge, %broadcast_in_dim3A_181, %ge3A_183 : vector<256x1xf32>
    %select_n3A_185 = arith.select %ge3A_184, %or3A_170, %select_n3A_167 : vector<256x1xi1>, vector<256x1xi32>
    %or3A_186 = arith.constant 2097152 : i32
    %or3A_187 = vector.broadcast %or3A_186 : i32 to vector<256x1xi32>
    %or3A_188 = arith.ori %select_n3A_185, %or3A_187 : vector<256x1xi32>
    %ge3A_189 = vector.broadcast %or3A_188 : vector<256x1xi32> to vector<256x2048xi32>
    %ge3A_190 = arith.cmpi uge, %xor3A, %ge3A_189 : vector<256x2048xi32>
    %jit3A_191 = arith.constant 1 : i32
    %jit3A_192 = arith.constant 0 : i32
    %broadcast_in_dim3A_193 = vector.broadcast %jit3A_191 : i32 to vector<256x2048xi32>
    %broadcast_in_dim3A_194 = vector.broadcast %jit3A_192 : i32 to vector<256x2048xi32>
    %select_n3A_195 = arith.select %ge3A_190, %broadcast_in_dim3A_193, %broadcast_in_dim3A_194 : vector<256x2048xi1>, vector<256x2048xi32>
    %convert_element_type3A_196 = arith.sitofp %select_n3A_195 : vector<256x2048xi32> to vector<256x2048xf32>
    %reduce_sum3A_197 = arith.constant dense<0.000000e+00> : vector<256xf32>
    %reduce_sum3A_198 = vector.multi_reduction <add>, %convert_element_type3A_196, %reduce_sum3A_197 [1] : vector<256x2048xf32> to vector<256xf32>
    %broadcast_in_dim3A_199 = vector.shape_cast %reduce_sum3A_198 : vector<256xf32> to vector<256x1xf32>
    %ge3A_200 = arith.constant 3.200000e+01 : f32
    %ge3A_201 = vector.broadcast %ge3A_200 : f32 to vector<256x1xf32>
    %ge3A_202 = arith.cmpf oge, %broadcast_in_dim3A_199, %ge3A_201 : vector<256x1xf32>
    %select_n3A_203 = arith.select %ge3A_202, %or3A_188, %select_n3A_185 : vector<256x1xi1>, vector<256x1xi32>
    %or3A_204 = arith.constant 1048576 : i32
    %or3A_205 = vector.broadcast %or3A_204 : i32 to vector<256x1xi32>
    %or3A_206 = arith.ori %select_n3A_203, %or3A_205 : vector<256x1xi32>
    %ge3A_207 = vector.broadcast %or3A_206 : vector<256x1xi32> to vector<256x2048xi32>
    %ge3A_208 = arith.cmpi uge, %xor3A, %ge3A_207 : vector<256x2048xi32>
    %jit3A_209 = arith.constant 1 : i32
    %jit3A_210 = arith.constant 0 : i32
    %broadcast_in_dim3A_211 = vector.broadcast %jit3A_209 : i32 to vector<256x2048xi32>
    %broadcast_in_dim3A_212 = vector.broadcast %jit3A_210 : i32 to vector<256x2048xi32>
    %select_n3A_213 = arith.select %ge3A_208, %broadcast_in_dim3A_211, %broadcast_in_dim3A_212 : vector<256x2048xi1>, vector<256x2048xi32>
    %convert_element_type3A_214 = arith.sitofp %select_n3A_213 : vector<256x2048xi32> to vector<256x2048xf32>
    %reduce_sum3A_215 = arith.constant dense<0.000000e+00> : vector<256xf32>
    %reduce_sum3A_216 = vector.multi_reduction <add>, %convert_element_type3A_214, %reduce_sum3A_215 [1] : vector<256x2048xf32> to vector<256xf32>
    %broadcast_in_dim3A_217 = vector.shape_cast %reduce_sum3A_216 : vector<256xf32> to vector<256x1xf32>
    %ge3A_218 = arith.constant 3.200000e+01 : f32
    %ge3A_219 = vector.broadcast %ge3A_218 : f32 to vector<256x1xf32>
    %ge3A_220 = arith.cmpf oge, %broadcast_in_dim3A_217, %ge3A_219 : vector<256x1xf32>
    %select_n3A_221 = arith.select %ge3A_220, %or3A_206, %select_n3A_203 : vector<256x1xi1>, vector<256x1xi32>
    %or3A_222 = arith.constant 524288 : i32
    %or3A_223 = vector.broadcast %or3A_222 : i32 to vector<256x1xi32>
    %or3A_224 = arith.ori %select_n3A_221, %or3A_223 : vector<256x1xi32>
    %ge3A_225 = vector.broadcast %or3A_224 : vector<256x1xi32> to vector<256x2048xi32>
    %ge3A_226 = arith.cmpi uge, %xor3A, %ge3A_225 : vector<256x2048xi32>
    %jit3A_227 = arith.constant 1 : i32
    %jit3A_228 = arith.constant 0 : i32
    %broadcast_in_dim3A_229 = vector.broadcast %jit3A_227 : i32 to vector<256x2048xi32>
    %broadcast_in_dim3A_230 = vector.broadcast %jit3A_228 : i32 to vector<256x2048xi32>
    %select_n3A_231 = arith.select %ge3A_226, %broadcast_in_dim3A_229, %broadcast_in_dim3A_230 : vector<256x2048xi1>, vector<256x2048xi32>
    %convert_element_type3A_232 = arith.sitofp %select_n3A_231 : vector<256x2048xi32> to vector<256x2048xf32>
    %reduce_sum3A_233 = arith.constant dense<0.000000e+00> : vector<256xf32>
    %reduce_sum3A_234 = vector.multi_reduction <add>, %convert_element_type3A_232, %reduce_sum3A_233 [1] : vector<256x2048xf32> to vector<256xf32>
    %broadcast_in_dim3A_235 = vector.shape_cast %reduce_sum3A_234 : vector<256xf32> to vector<256x1xf32>
    %ge3A_236 = arith.constant 3.200000e+01 : f32
    %ge3A_237 = vector.broadcast %ge3A_236 : f32 to vector<256x1xf32>
    %ge3A_238 = arith.cmpf oge, %broadcast_in_dim3A_235, %ge3A_237 : vector<256x1xf32>
    %select_n3A_239 = arith.select %ge3A_238, %or3A_224, %select_n3A_221 : vector<256x1xi1>, vector<256x1xi32>
    %or3A_240 = arith.constant 262144 : i32
    %or3A_241 = vector.broadcast %or3A_240 : i32 to vector<256x1xi32>
    %or3A_242 = arith.ori %select_n3A_239, %or3A_241 : vector<256x1xi32>
    %ge3A_243 = vector.broadcast %or3A_242 : vector<256x1xi32> to vector<256x2048xi32>
    %ge3A_244 = arith.cmpi uge, %xor3A, %ge3A_243 : vector<256x2048xi32>
    %jit3A_245 = arith.constant 1 : i32
    %jit3A_246 = arith.constant 0 : i32
    %broadcast_in_dim3A_247 = vector.broadcast %jit3A_245 : i32 to vector<256x2048xi32>
    %broadcast_in_dim3A_248 = vector.broadcast %jit3A_246 : i32 to vector<256x2048xi32>
    %select_n3A_249 = arith.select %ge3A_244, %broadcast_in_dim3A_247, %broadcast_in_dim3A_248 : vector<256x2048xi1>, vector<256x2048xi32>
    %convert_element_type3A_250 = arith.sitofp %select_n3A_249 : vector<256x2048xi32> to vector<256x2048xf32>
    %reduce_sum3A_251 = arith.constant dense<0.000000e+00> : vector<256xf32>
    %reduce_sum3A_252 = vector.multi_reduction <add>, %convert_element_type3A_250, %reduce_sum3A_251 [1] : vector<256x2048xf32> to vector<256xf32>
    %broadcast_in_dim3A_253 = vector.shape_cast %reduce_sum3A_252 : vector<256xf32> to vector<256x1xf32>
    %ge3A_254 = arith.constant 3.200000e+01 : f32
    %ge3A_255 = vector.broadcast %ge3A_254 : f32 to vector<256x1xf32>
    %ge3A_256 = arith.cmpf oge, %broadcast_in_dim3A_253, %ge3A_255 : vector<256x1xf32>
    %select_n3A_257 = arith.select %ge3A_256, %or3A_242, %select_n3A_239 : vector<256x1xi1>, vector<256x1xi32>
    %or3A_258 = arith.constant 131072 : i32
    %or3A_259 = vector.broadcast %or3A_258 : i32 to vector<256x1xi32>
    %or3A_260 = arith.ori %select_n3A_257, %or3A_259 : vector<256x1xi32>
    %ge3A_261 = vector.broadcast %or3A_260 : vector<256x1xi32> to vector<256x2048xi32>
    %ge3A_262 = arith.cmpi uge, %xor3A, %ge3A_261 : vector<256x2048xi32>
    %jit3A_263 = arith.constant 1 : i32
    %jit3A_264 = arith.constant 0 : i32
    %broadcast_in_dim3A_265 = vector.broadcast %jit3A_263 : i32 to vector<256x2048xi32>
    %broadcast_in_dim3A_266 = vector.broadcast %jit3A_264 : i32 to vector<256x2048xi32>
    %select_n3A_267 = arith.select %ge3A_262, %broadcast_in_dim3A_265, %broadcast_in_dim3A_266 : vector<256x2048xi1>, vector<256x2048xi32>
    %convert_element_type3A_268 = arith.sitofp %select_n3A_267 : vector<256x2048xi32> to vector<256x2048xf32>
    %reduce_sum3A_269 = arith.constant dense<0.000000e+00> : vector<256xf32>
    %reduce_sum3A_270 = vector.multi_reduction <add>, %convert_element_type3A_268, %reduce_sum3A_269 [1] : vector<256x2048xf32> to vector<256xf32>
    %broadcast_in_dim3A_271 = vector.shape_cast %reduce_sum3A_270 : vector<256xf32> to vector<256x1xf32>
    %ge3A_272 = arith.constant 3.200000e+01 : f32
    %ge3A_273 = vector.broadcast %ge3A_272 : f32 to vector<256x1xf32>
    %ge3A_274 = arith.cmpf oge, %broadcast_in_dim3A_271, %ge3A_273 : vector<256x1xf32>
    %select_n3A_275 = arith.select %ge3A_274, %or3A_260, %select_n3A_257 : vector<256x1xi1>, vector<256x1xi32>
    %or3A_276 = arith.constant 65536 : i32
    %or3A_277 = vector.broadcast %or3A_276 : i32 to vector<256x1xi32>
    %or3A_278 = arith.ori %select_n3A_275, %or3A_277 : vector<256x1xi32>
    %ge3A_279 = vector.broadcast %or3A_278 : vector<256x1xi32> to vector<256x2048xi32>
    %ge3A_280 = arith.cmpi uge, %xor3A, %ge3A_279 : vector<256x2048xi32>
    %jit3A_281 = arith.constant 1 : i32
    %jit3A_282 = arith.constant 0 : i32
    %broadcast_in_dim3A_283 = vector.broadcast %jit3A_281 : i32 to vector<256x2048xi32>
    %broadcast_in_dim3A_284 = vector.broadcast %jit3A_282 : i32 to vector<256x2048xi32>
    %select_n3A_285 = arith.select %ge3A_280, %broadcast_in_dim3A_283, %broadcast_in_dim3A_284 : vector<256x2048xi1>, vector<256x2048xi32>
    %convert_element_type3A_286 = arith.sitofp %select_n3A_285 : vector<256x2048xi32> to vector<256x2048xf32>
    %reduce_sum3A_287 = arith.constant dense<0.000000e+00> : vector<256xf32>
    %reduce_sum3A_288 = vector.multi_reduction <add>, %convert_element_type3A_286, %reduce_sum3A_287 [1] : vector<256x2048xf32> to vector<256xf32>
    %broadcast_in_dim3A_289 = vector.shape_cast %reduce_sum3A_288 : vector<256xf32> to vector<256x1xf32>
    %ge3A_290 = arith.constant 3.200000e+01 : f32
    %ge3A_291 = vector.broadcast %ge3A_290 : f32 to vector<256x1xf32>
    %ge3A_292 = arith.cmpf oge, %broadcast_in_dim3A_289, %ge3A_291 : vector<256x1xf32>
    %select_n3A_293 = arith.select %ge3A_292, %or3A_278, %select_n3A_275 : vector<256x1xi1>, vector<256x1xi32>
    %or3A_294 = arith.constant 32768 : i32
    %or3A_295 = vector.broadcast %or3A_294 : i32 to vector<256x1xi32>
    %or3A_296 = arith.ori %select_n3A_293, %or3A_295 : vector<256x1xi32>
    %ge3A_297 = vector.broadcast %or3A_296 : vector<256x1xi32> to vector<256x2048xi32>
    %ge3A_298 = arith.cmpi uge, %xor3A, %ge3A_297 : vector<256x2048xi32>
    %jit3A_299 = arith.constant 1 : i32
    %jit3A_300 = arith.constant 0 : i32
    %broadcast_in_dim3A_301 = vector.broadcast %jit3A_299 : i32 to vector<256x2048xi32>
    %broadcast_in_dim3A_302 = vector.broadcast %jit3A_300 : i32 to vector<256x2048xi32>
    %select_n3A_303 = arith.select %ge3A_298, %broadcast_in_dim3A_301, %broadcast_in_dim3A_302 : vector<256x2048xi1>, vector<256x2048xi32>
    %convert_element_type3A_304 = arith.sitofp %select_n3A_303 : vector<256x2048xi32> to vector<256x2048xf32>
    %reduce_sum3A_305 = arith.constant dense<0.000000e+00> : vector<256xf32>
    %reduce_sum3A_306 = vector.multi_reduction <add>, %convert_element_type3A_304, %reduce_sum3A_305 [1] : vector<256x2048xf32> to vector<256xf32>
    %broadcast_in_dim3A_307 = vector.shape_cast %reduce_sum3A_306 : vector<256xf32> to vector<256x1xf32>
    %ge3A_308 = arith.constant 3.200000e+01 : f32
    %ge3A_309 = vector.broadcast %ge3A_308 : f32 to vector<256x1xf32>
    %ge3A_310 = arith.cmpf oge, %broadcast_in_dim3A_307, %ge3A_309 : vector<256x1xf32>
    %select_n3A_311 = arith.select %ge3A_310, %or3A_296, %select_n3A_293 : vector<256x1xi1>, vector<256x1xi32>
    %or3A_312 = arith.constant 16384 : i32
    %or3A_313 = vector.broadcast %or3A_312 : i32 to vector<256x1xi32>
    %or3A_314 = arith.ori %select_n3A_311, %or3A_313 : vector<256x1xi32>
    %ge3A_315 = vector.broadcast %or3A_314 : vector<256x1xi32> to vector<256x2048xi32>
    %ge3A_316 = arith.cmpi uge, %xor3A, %ge3A_315 : vector<256x2048xi32>
    %jit3A_317 = arith.constant 1 : i32
    %jit3A_318 = arith.constant 0 : i32
    %broadcast_in_dim3A_319 = vector.broadcast %jit3A_317 : i32 to vector<256x2048xi32>
    %broadcast_in_dim3A_320 = vector.broadcast %jit3A_318 : i32 to vector<256x2048xi32>
    %select_n3A_321 = arith.select %ge3A_316, %broadcast_in_dim3A_319, %broadcast_in_dim3A_320 : vector<256x2048xi1>, vector<256x2048xi32>
    %convert_element_type3A_322 = arith.sitofp %select_n3A_321 : vector<256x2048xi32> to vector<256x2048xf32>
    %reduce_sum3A_323 = arith.constant dense<0.000000e+00> : vector<256xf32>
    %reduce_sum3A_324 = vector.multi_reduction <add>, %convert_element_type3A_322, %reduce_sum3A_323 [1] : vector<256x2048xf32> to vector<256xf32>
    %broadcast_in_dim3A_325 = vector.shape_cast %reduce_sum3A_324 : vector<256xf32> to vector<256x1xf32>
    %ge3A_326 = arith.constant 3.200000e+01 : f32
    %ge3A_327 = vector.broadcast %ge3A_326 : f32 to vector<256x1xf32>
    %ge3A_328 = arith.cmpf oge, %broadcast_in_dim3A_325, %ge3A_327 : vector<256x1xf32>
    %select_n3A_329 = arith.select %ge3A_328, %or3A_314, %select_n3A_311 : vector<256x1xi1>, vector<256x1xi32>
    %or3A_330 = arith.constant 8192 : i32
    %or3A_331 = vector.broadcast %or3A_330 : i32 to vector<256x1xi32>
    %or3A_332 = arith.ori %select_n3A_329, %or3A_331 : vector<256x1xi32>
    %ge3A_333 = vector.broadcast %or3A_332 : vector<256x1xi32> to vector<256x2048xi32>
    %ge3A_334 = arith.cmpi uge, %xor3A, %ge3A_333 : vector<256x2048xi32>
    %jit3A_335 = arith.constant 1 : i32
    %jit3A_336 = arith.constant 0 : i32
    %broadcast_in_dim3A_337 = vector.broadcast %jit3A_335 : i32 to vector<256x2048xi32>
    %broadcast_in_dim3A_338 = vector.broadcast %jit3A_336 : i32 to vector<256x2048xi32>
    %select_n3A_339 = arith.select %ge3A_334, %broadcast_in_dim3A_337, %broadcast_in_dim3A_338 : vector<256x2048xi1>, vector<256x2048xi32>
    %convert_element_type3A_340 = arith.sitofp %select_n3A_339 : vector<256x2048xi32> to vector<256x2048xf32>
    %reduce_sum3A_341 = arith.constant dense<0.000000e+00> : vector<256xf32>
    %reduce_sum3A_342 = vector.multi_reduction <add>, %convert_element_type3A_340, %reduce_sum3A_341 [1] : vector<256x2048xf32> to vector<256xf32>
    %broadcast_in_dim3A_343 = vector.shape_cast %reduce_sum3A_342 : vector<256xf32> to vector<256x1xf32>
    %ge3A_344 = arith.constant 3.200000e+01 : f32
    %ge3A_345 = vector.broadcast %ge3A_344 : f32 to vector<256x1xf32>
    %ge3A_346 = arith.cmpf oge, %broadcast_in_dim3A_343, %ge3A_345 : vector<256x1xf32>
    %select_n3A_347 = arith.select %ge3A_346, %or3A_332, %select_n3A_329 : vector<256x1xi1>, vector<256x1xi32>
    %or3A_348 = arith.constant 4096 : i32
    %or3A_349 = vector.broadcast %or3A_348 : i32 to vector<256x1xi32>
    %or3A_350 = arith.ori %select_n3A_347, %or3A_349 : vector<256x1xi32>
    %ge3A_351 = vector.broadcast %or3A_350 : vector<256x1xi32> to vector<256x2048xi32>
    %ge3A_352 = arith.cmpi uge, %xor3A, %ge3A_351 : vector<256x2048xi32>
    %jit3A_353 = arith.constant 1 : i32
    %jit3A_354 = arith.constant 0 : i32
    %broadcast_in_dim3A_355 = vector.broadcast %jit3A_353 : i32 to vector<256x2048xi32>
    %broadcast_in_dim3A_356 = vector.broadcast %jit3A_354 : i32 to vector<256x2048xi32>
    %select_n3A_357 = arith.select %ge3A_352, %broadcast_in_dim3A_355, %broadcast_in_dim3A_356 : vector<256x2048xi1>, vector<256x2048xi32>
    %convert_element_type3A_358 = arith.sitofp %select_n3A_357 : vector<256x2048xi32> to vector<256x2048xf32>
    %reduce_sum3A_359 = arith.constant dense<0.000000e+00> : vector<256xf32>
    %reduce_sum3A_360 = vector.multi_reduction <add>, %convert_element_type3A_358, %reduce_sum3A_359 [1] : vector<256x2048xf32> to vector<256xf32>
    %broadcast_in_dim3A_361 = vector.shape_cast %reduce_sum3A_360 : vector<256xf32> to vector<256x1xf32>
    %ge3A_362 = arith.constant 3.200000e+01 : f32
    %ge3A_363 = vector.broadcast %ge3A_362 : f32 to vector<256x1xf32>
    %ge3A_364 = arith.cmpf oge, %broadcast_in_dim3A_361, %ge3A_363 : vector<256x1xf32>
    %select_n3A_365 = arith.select %ge3A_364, %or3A_350, %select_n3A_347 : vector<256x1xi1>, vector<256x1xi32>
    %or3A_366 = arith.constant 2048 : i32
    %or3A_367 = vector.broadcast %or3A_366 : i32 to vector<256x1xi32>
    %or3A_368 = arith.ori %select_n3A_365, %or3A_367 : vector<256x1xi32>
    %ge3A_369 = vector.broadcast %or3A_368 : vector<256x1xi32> to vector<256x2048xi32>
    %ge3A_370 = arith.cmpi uge, %xor3A, %ge3A_369 : vector<256x2048xi32>
    %jit3A_371 = arith.constant 1 : i32
    %jit3A_372 = arith.constant 0 : i32
    %broadcast_in_dim3A_373 = vector.broadcast %jit3A_371 : i32 to vector<256x2048xi32>
    %broadcast_in_dim3A_374 = vector.broadcast %jit3A_372 : i32 to vector<256x2048xi32>
    %select_n3A_375 = arith.select %ge3A_370, %broadcast_in_dim3A_373, %broadcast_in_dim3A_374 : vector<256x2048xi1>, vector<256x2048xi32>
    %convert_element_type3A_376 = arith.sitofp %select_n3A_375 : vector<256x2048xi32> to vector<256x2048xf32>
    %reduce_sum3A_377 = arith.constant dense<0.000000e+00> : vector<256xf32>
    %reduce_sum3A_378 = vector.multi_reduction <add>, %convert_element_type3A_376, %reduce_sum3A_377 [1] : vector<256x2048xf32> to vector<256xf32>
    %broadcast_in_dim3A_379 = vector.shape_cast %reduce_sum3A_378 : vector<256xf32> to vector<256x1xf32>
    %ge3A_380 = arith.constant 3.200000e+01 : f32
    %ge3A_381 = vector.broadcast %ge3A_380 : f32 to vector<256x1xf32>
    %ge3A_382 = arith.cmpf oge, %broadcast_in_dim3A_379, %ge3A_381 : vector<256x1xf32>
    %select_n3A_383 = arith.select %ge3A_382, %or3A_368, %select_n3A_365 : vector<256x1xi1>, vector<256x1xi32>
    %or3A_384 = arith.constant 1024 : i32
    %or3A_385 = vector.broadcast %or3A_384 : i32 to vector<256x1xi32>
    %or3A_386 = arith.ori %select_n3A_383, %or3A_385 : vector<256x1xi32>
    %ge3A_387 = vector.broadcast %or3A_386 : vector<256x1xi32> to vector<256x2048xi32>
    %ge3A_388 = arith.cmpi uge, %xor3A, %ge3A_387 : vector<256x2048xi32>
    %jit3A_389 = arith.constant 1 : i32
    %jit3A_390 = arith.constant 0 : i32
    %broadcast_in_dim3A_391 = vector.broadcast %jit3A_389 : i32 to vector<256x2048xi32>
    %broadcast_in_dim3A_392 = vector.broadcast %jit3A_390 : i32 to vector<256x2048xi32>
    %select_n3A_393 = arith.select %ge3A_388, %broadcast_in_dim3A_391, %broadcast_in_dim3A_392 : vector<256x2048xi1>, vector<256x2048xi32>
    %convert_element_type3A_394 = arith.sitofp %select_n3A_393 : vector<256x2048xi32> to vector<256x2048xf32>
    %reduce_sum3A_395 = arith.constant dense<0.000000e+00> : vector<256xf32>
    %reduce_sum3A_396 = vector.multi_reduction <add>, %convert_element_type3A_394, %reduce_sum3A_395 [1] : vector<256x2048xf32> to vector<256xf32>
    %broadcast_in_dim3A_397 = vector.shape_cast %reduce_sum3A_396 : vector<256xf32> to vector<256x1xf32>
    %ge3A_398 = arith.constant 3.200000e+01 : f32
    %ge3A_399 = vector.broadcast %ge3A_398 : f32 to vector<256x1xf32>
    %ge3A_400 = arith.cmpf oge, %broadcast_in_dim3A_397, %ge3A_399 : vector<256x1xf32>
    %select_n3A_401 = arith.select %ge3A_400, %or3A_386, %select_n3A_383 : vector<256x1xi1>, vector<256x1xi32>
    %or3A_402 = arith.constant 512 : i32
    %or3A_403 = vector.broadcast %or3A_402 : i32 to vector<256x1xi32>
    %or3A_404 = arith.ori %select_n3A_401, %or3A_403 : vector<256x1xi32>
    %ge3A_405 = vector.broadcast %or3A_404 : vector<256x1xi32> to vector<256x2048xi32>
    %ge3A_406 = arith.cmpi uge, %xor3A, %ge3A_405 : vector<256x2048xi32>
    %jit3A_407 = arith.constant 1 : i32
    %jit3A_408 = arith.constant 0 : i32
    %broadcast_in_dim3A_409 = vector.broadcast %jit3A_407 : i32 to vector<256x2048xi32>
    %broadcast_in_dim3A_410 = vector.broadcast %jit3A_408 : i32 to vector<256x2048xi32>
    %select_n3A_411 = arith.select %ge3A_406, %broadcast_in_dim3A_409, %broadcast_in_dim3A_410 : vector<256x2048xi1>, vector<256x2048xi32>
    %convert_element_type3A_412 = arith.sitofp %select_n3A_411 : vector<256x2048xi32> to vector<256x2048xf32>
    %reduce_sum3A_413 = arith.constant dense<0.000000e+00> : vector<256xf32>
    %reduce_sum3A_414 = vector.multi_reduction <add>, %convert_element_type3A_412, %reduce_sum3A_413 [1] : vector<256x2048xf32> to vector<256xf32>
    %broadcast_in_dim3A_415 = vector.shape_cast %reduce_sum3A_414 : vector<256xf32> to vector<256x1xf32>
    %ge3A_416 = arith.constant 3.200000e+01 : f32
    %ge3A_417 = vector.broadcast %ge3A_416 : f32 to vector<256x1xf32>
    %ge3A_418 = arith.cmpf oge, %broadcast_in_dim3A_415, %ge3A_417 : vector<256x1xf32>
    %select_n3A_419 = arith.select %ge3A_418, %or3A_404, %select_n3A_401 : vector<256x1xi1>, vector<256x1xi32>
    %or3A_420 = arith.constant 256 : i32
    %or3A_421 = vector.broadcast %or3A_420 : i32 to vector<256x1xi32>
    %or3A_422 = arith.ori %select_n3A_419, %or3A_421 : vector<256x1xi32>
    %ge3A_423 = vector.broadcast %or3A_422 : vector<256x1xi32> to vector<256x2048xi32>
    %ge3A_424 = arith.cmpi uge, %xor3A, %ge3A_423 : vector<256x2048xi32>
    %jit3A_425 = arith.constant 1 : i32
    %jit3A_426 = arith.constant 0 : i32
    %broadcast_in_dim3A_427 = vector.broadcast %jit3A_425 : i32 to vector<256x2048xi32>
    %broadcast_in_dim3A_428 = vector.broadcast %jit3A_426 : i32 to vector<256x2048xi32>
    %select_n3A_429 = arith.select %ge3A_424, %broadcast_in_dim3A_427, %broadcast_in_dim3A_428 : vector<256x2048xi1>, vector<256x2048xi32>
    %convert_element_type3A_430 = arith.sitofp %select_n3A_429 : vector<256x2048xi32> to vector<256x2048xf32>
    %reduce_sum3A_431 = arith.constant dense<0.000000e+00> : vector<256xf32>
    %reduce_sum3A_432 = vector.multi_reduction <add>, %convert_element_type3A_430, %reduce_sum3A_431 [1] : vector<256x2048xf32> to vector<256xf32>
    %broadcast_in_dim3A_433 = vector.shape_cast %reduce_sum3A_432 : vector<256xf32> to vector<256x1xf32>
    %ge3A_434 = arith.constant 3.200000e+01 : f32
    %ge3A_435 = vector.broadcast %ge3A_434 : f32 to vector<256x1xf32>
    %ge3A_436 = arith.cmpf oge, %broadcast_in_dim3A_433, %ge3A_435 : vector<256x1xf32>
    %select_n3A_437 = arith.select %ge3A_436, %or3A_422, %select_n3A_419 : vector<256x1xi1>, vector<256x1xi32>
    %or3A_438 = arith.constant 128 : i32
    %or3A_439 = vector.broadcast %or3A_438 : i32 to vector<256x1xi32>
    %or3A_440 = arith.ori %select_n3A_437, %or3A_439 : vector<256x1xi32>
    %ge3A_441 = vector.broadcast %or3A_440 : vector<256x1xi32> to vector<256x2048xi32>
    %ge3A_442 = arith.cmpi uge, %xor3A, %ge3A_441 : vector<256x2048xi32>
    %jit3A_443 = arith.constant 1 : i32
    %jit3A_444 = arith.constant 0 : i32
    %broadcast_in_dim3A_445 = vector.broadcast %jit3A_443 : i32 to vector<256x2048xi32>
    %broadcast_in_dim3A_446 = vector.broadcast %jit3A_444 : i32 to vector<256x2048xi32>
    %select_n3A_447 = arith.select %ge3A_442, %broadcast_in_dim3A_445, %broadcast_in_dim3A_446 : vector<256x2048xi1>, vector<256x2048xi32>
    %convert_element_type3A_448 = arith.sitofp %select_n3A_447 : vector<256x2048xi32> to vector<256x2048xf32>
    %reduce_sum3A_449 = arith.constant dense<0.000000e+00> : vector<256xf32>
    %reduce_sum3A_450 = vector.multi_reduction <add>, %convert_element_type3A_448, %reduce_sum3A_449 [1] : vector<256x2048xf32> to vector<256xf32>
    %broadcast_in_dim3A_451 = vector.shape_cast %reduce_sum3A_450 : vector<256xf32> to vector<256x1xf32>
    %ge3A_452 = arith.constant 3.200000e+01 : f32
    %ge3A_453 = vector.broadcast %ge3A_452 : f32 to vector<256x1xf32>
    %ge3A_454 = arith.cmpf oge, %broadcast_in_dim3A_451, %ge3A_453 : vector<256x1xf32>
    %select_n3A_455 = arith.select %ge3A_454, %or3A_440, %select_n3A_437 : vector<256x1xi1>, vector<256x1xi32>
    %or3A_456 = arith.constant 64 : i32
    %or3A_457 = vector.broadcast %or3A_456 : i32 to vector<256x1xi32>
    %or3A_458 = arith.ori %select_n3A_455, %or3A_457 : vector<256x1xi32>
    %ge3A_459 = vector.broadcast %or3A_458 : vector<256x1xi32> to vector<256x2048xi32>
    %ge3A_460 = arith.cmpi uge, %xor3A, %ge3A_459 : vector<256x2048xi32>
    %jit3A_461 = arith.constant 1 : i32
    %jit3A_462 = arith.constant 0 : i32
    %broadcast_in_dim3A_463 = vector.broadcast %jit3A_461 : i32 to vector<256x2048xi32>
    %broadcast_in_dim3A_464 = vector.broadcast %jit3A_462 : i32 to vector<256x2048xi32>
    %select_n3A_465 = arith.select %ge3A_460, %broadcast_in_dim3A_463, %broadcast_in_dim3A_464 : vector<256x2048xi1>, vector<256x2048xi32>
    %convert_element_type3A_466 = arith.sitofp %select_n3A_465 : vector<256x2048xi32> to vector<256x2048xf32>
    %reduce_sum3A_467 = arith.constant dense<0.000000e+00> : vector<256xf32>
    %reduce_sum3A_468 = vector.multi_reduction <add>, %convert_element_type3A_466, %reduce_sum3A_467 [1] : vector<256x2048xf32> to vector<256xf32>
    %broadcast_in_dim3A_469 = vector.shape_cast %reduce_sum3A_468 : vector<256xf32> to vector<256x1xf32>
    %ge3A_470 = arith.constant 3.200000e+01 : f32
    %ge3A_471 = vector.broadcast %ge3A_470 : f32 to vector<256x1xf32>
    %ge3A_472 = arith.cmpf oge, %broadcast_in_dim3A_469, %ge3A_471 : vector<256x1xf32>
    %select_n3A_473 = arith.select %ge3A_472, %or3A_458, %select_n3A_455 : vector<256x1xi1>, vector<256x1xi32>
    %or3A_474 = arith.constant 32 : i32
    %or3A_475 = vector.broadcast %or3A_474 : i32 to vector<256x1xi32>
    %or3A_476 = arith.ori %select_n3A_473, %or3A_475 : vector<256x1xi32>
    %ge3A_477 = vector.broadcast %or3A_476 : vector<256x1xi32> to vector<256x2048xi32>
    %ge3A_478 = arith.cmpi uge, %xor3A, %ge3A_477 : vector<256x2048xi32>
    %jit3A_479 = arith.constant 1 : i32
    %jit3A_480 = arith.constant 0 : i32
    %broadcast_in_dim3A_481 = vector.broadcast %jit3A_479 : i32 to vector<256x2048xi32>
    %broadcast_in_dim3A_482 = vector.broadcast %jit3A_480 : i32 to vector<256x2048xi32>
    %select_n3A_483 = arith.select %ge3A_478, %broadcast_in_dim3A_481, %broadcast_in_dim3A_482 : vector<256x2048xi1>, vector<256x2048xi32>
    %convert_element_type3A_484 = arith.sitofp %select_n3A_483 : vector<256x2048xi32> to vector<256x2048xf32>
    %reduce_sum3A_485 = arith.constant dense<0.000000e+00> : vector<256xf32>
    %reduce_sum3A_486 = vector.multi_reduction <add>, %convert_element_type3A_484, %reduce_sum3A_485 [1] : vector<256x2048xf32> to vector<256xf32>
    %broadcast_in_dim3A_487 = vector.shape_cast %reduce_sum3A_486 : vector<256xf32> to vector<256x1xf32>
    %ge3A_488 = arith.constant 3.200000e+01 : f32
    %ge3A_489 = vector.broadcast %ge3A_488 : f32 to vector<256x1xf32>
    %ge3A_490 = arith.cmpf oge, %broadcast_in_dim3A_487, %ge3A_489 : vector<256x1xf32>
    %select_n3A_491 = arith.select %ge3A_490, %or3A_476, %select_n3A_473 : vector<256x1xi1>, vector<256x1xi32>
    %or3A_492 = arith.constant 16 : i32
    %or3A_493 = vector.broadcast %or3A_492 : i32 to vector<256x1xi32>
    %or3A_494 = arith.ori %select_n3A_491, %or3A_493 : vector<256x1xi32>
    %ge3A_495 = vector.broadcast %or3A_494 : vector<256x1xi32> to vector<256x2048xi32>
    %ge3A_496 = arith.cmpi uge, %xor3A, %ge3A_495 : vector<256x2048xi32>
    %jit3A_497 = arith.constant 1 : i32
    %jit3A_498 = arith.constant 0 : i32
    %broadcast_in_dim3A_499 = vector.broadcast %jit3A_497 : i32 to vector<256x2048xi32>
    %broadcast_in_dim3A_500 = vector.broadcast %jit3A_498 : i32 to vector<256x2048xi32>
    %select_n3A_501 = arith.select %ge3A_496, %broadcast_in_dim3A_499, %broadcast_in_dim3A_500 : vector<256x2048xi1>, vector<256x2048xi32>
    %convert_element_type3A_502 = arith.sitofp %select_n3A_501 : vector<256x2048xi32> to vector<256x2048xf32>
    %reduce_sum3A_503 = arith.constant dense<0.000000e+00> : vector<256xf32>
    %reduce_sum3A_504 = vector.multi_reduction <add>, %convert_element_type3A_502, %reduce_sum3A_503 [1] : vector<256x2048xf32> to vector<256xf32>
    %broadcast_in_dim3A_505 = vector.shape_cast %reduce_sum3A_504 : vector<256xf32> to vector<256x1xf32>
    %ge3A_506 = arith.constant 3.200000e+01 : f32
    %ge3A_507 = vector.broadcast %ge3A_506 : f32 to vector<256x1xf32>
    %ge3A_508 = arith.cmpf oge, %broadcast_in_dim3A_505, %ge3A_507 : vector<256x1xf32>
    %select_n3A_509 = arith.select %ge3A_508, %or3A_494, %select_n3A_491 : vector<256x1xi1>, vector<256x1xi32>
    %ge3A_510 = vector.broadcast %select_n3A_509 : vector<256x1xi32> to vector<256x2048xi32>
    %ge3A_511 = arith.cmpi uge, %xor3A, %ge3A_510 : vector<256x2048xi32>
    %jit3A_512 = arith.constant 0.000000e+00 : f32
    %broadcast_in_dim3A_513 = vector.broadcast %jit3A_512 : f32 to vector<256x2048xf32>
    %select_n3A_514 = arith.select %ge3A_511, %get3A_1, %broadcast_in_dim3A_513 : vector<256x2048xi1>, vector<256x2048xf32>
    %swap3A = arith.constant 0 : index
    %swap3A_515 = arith.constant 0 : index
    %swap3A_516 = vector.load %arg2[%swap3A, %swap3A_515] : memref<256x2048xf32, #tpu.memory_space<vmem>>, vector<256x2048xf32>
    tpu.vector_store %arg2[%swap3A, %swap3A_515], %select_n3A_514 {strides = array<i32>} : memref<256x2048xf32, #tpu.memory_space<vmem>>, vector<256x2048xf32>,
    return
  }
  func.func @transform_0(%arg0: i32) -> (i32, i32) {
    %c0_i32 = arith.constant 0 : i32
    %c0_i32_0 = arith.constant 0 : i32
    return %arg0, %c0_i32 : i32, i32
  }
  func.func @transform_1(%arg0: i32) -> (i32, i32) {
    %c0_i32 = arith.constant 0 : i32
    %c0_i32_0 = arith.constant 0 : i32
    return %arg0, %c0_i32 : i32, i32
  }
}

</mosaic_0001>

<sc_bundles>
// kernel: kernel.4.cloned.1.call-start
scs
__scs_entry_jumppad:
0x0: {  	(pc) =	sbr.rel $0x88, $3  }
0x1: {  	(tag) =	ssettag $0x0;
	lr =	simm.s32 $0x1  }
0x2: {  	[smem:$0x3FA0] =	sst lr;
	_ =	strace $0xD0000000  }
0x3: {  	_ = 	snop  }
0x4: {  	_ = 	snop  }
0x5: {  	_ = 	snop  }
0x6: {  	_ = 	snop  }
0x7: {  	_ = 	snop  }
__scs_overlays_trampoline_lowered:
0x8: {  	[smem:$0x3FAF] =	sst s0  }
0x9: {  	[smem:$0x3FB0] =	sst s1  }
0xa: {  	[smem:$0x3FB1] =	sst s2  }
0xb: {  	[smem:$0x3FB2] =	sst s3  }
0xc: {  	[smem:$0x3FB3] =	sst s4  }
0xd: {  	[smem:$0x3FB4] =	sst s5  }
0xe: {  	[smem:$0x3FB5] =	sst s6  }
0xf: {  	[smem:$0x3FB6] =	sst s7  }
0x10: {  	[smem:$0x3FB7] =	sst s8  }
0x11: {  	[smem:$0x3FB8] =	sst s9;
	s0 =	simm.s32 @!p0 $0x0  }
0x12: {  	s1 =	sld [smem:$0x3F9E];
	s0 =	simm.s32 @p0 $0x1  }
0x13: {  	[smem:$0x3FB9] =	sst s0;
	s0 =	simm.s32 @!p1 $0x0  }
0x14: {  	s2 =	sld [smem:$0x3F9D];
	s0 =	simm.s32 @p1 $0x1  }
0x15: {  	[smem:$0x3FBA] =	sst s0;
	s0 =	simm.s32 @!p2 $0x0  }
0x16: {  	s3 =	sld [smem:$0x3FDB];
	s0 =	simm.s32 @p2 $0x1  }
0x17: {  	s4 =	simm.s32 $0x1BF5;
	[smem:$0x3FBC] =	sst s0  }
0x18: {  	s0 =	sld [smem:$0x3F9F];
	_ =	swait.ge [sflag:s4], $0x0  }
0x19: {  	s7 =	sld [smem:$0x3FA0]  }
0x1a: {  	s8 =	sadd.s32 $0xFFFFE003, lr  }
0x1b: {  	s9 =	sadd.s32 $0xFFFFFEF7, lr;
	s5 =	simm.s32 $0xFFFFFFFF;
	p2 =	slt.u32 s8, $0xFFFFF086  }
0x1c: {  	p1 =	slt.u32 s9, $0xF7A;
	s5 =	simm.s32 @!p2 $0x0  }
0x1d: {  	s5 =	simm.s32 @p1 $0x1;
	p0 =	seq.s32 s7, s2  }
0x1e: {  	s7 =	smul.u32 @!p0 $0xF7A, s2;
	p2 =	seq.s32 @!p0 s5, $0x0  }
0x1f: {  	s9 =	smul.u32 $0xF7A, s1;
	s8 =	simm.s32 @!p0 $0x1BF5;
	p2 =	por !p2, p0  }
0x20: {  	[sflag:s8] =	ssyncset.s32 @!p0 $0xFFFFF086;
	s6 =	sadd.s32 @!p0 s3, s7;
	s7 =	simm.s32 @!p0 $0x108  }
0x21: {  	s3 =	sadd.s32 s3, s9;
	s6 =	sadd.s32 @!p0 $0x88, s6;
	s7 =	simm.s32 @p2 $0x1082  }
0x22: {  	[simem:s7], [sflag:s8] =	dma.local @!p0 [hbm:s6], $0xF7A  }
0x23: {  	s9 =	sor.u32 $0xD0000000, s2;
	s6 =	simm.s32 $0x108;
	_ =	swait.ge @!p0 [sflag:s8], $0x0  }
0x24: {  	s3 =	sadd.s32 $0x88, s3;
	s6 =	simm.s32 @!p1 $0x1082;
	[sflag:s4] =	ssyncset.s32 $0xFFFFF086  }
0x25: {  	[simem:s6], [sflag:s4] =	dma.local [hbm:s3], $0xF7A  }
0x26: {  	[smem:$0x3FA0] =	sst s1;
	(tag) =	ssettag s2;
	_ =	strace s9  }
0x27: {  	s1 =	sld [smem:$0x3FB0]  }
0x28: {  	s2 =	sld [smem:$0x3FB1]  }
0x29: {  	s4 =	sld [smem:$0x3FB3]  }
0x2a: {  	p0 =	seq.s32 s5, $0x0;
	s5 =	sld [smem:$0x3FB4]  }
0x2b: {  	s6 =	sld [smem:$0x3FB5]  }
0x2c: {  	s7 =	sld [smem:$0x3FB6]  }
0x2d: {  	s3 =	simm.s32 $0x108;
	s8 =	sld [smem:$0x3FB7]  }
0x2e: {  	s3 =	simm.s32 @!p0 $0x1082;
	s9 =	sld [smem:$0x3FB8]  }
0x2f: {  	lr =	sadd.s32 s0, s3;
	s0 =	sld [smem:$0x3FAF]  }
0x30: {  	s3 =	sld [smem:$0x3FB2]  }
0x31: {  	[smem:$0x3FBB] =	sst s10  }
0x32: {  	s10 =	sld [smem:$0x3FB9];
	_ =	sdelay $0x3  }
0x33: {  	p0 =	seq.s32 s10, $0x1;
	s10 =	sld [smem:$0x3FBB];
	_ =	sdelay $0x3  }
0x34: {  	[smem:$0x3FBB] =	sst s10  }
0x35: {  	s10 =	sld [smem:$0x3FBA];
	_ =	sdelay $0x3  }
0x36: {  	p1 =	seq.s32 s10, $0x1;
	s10 =	sld [smem:$0x3FBB];
	_ =	sdelay $0x3  }
0x37: {  	[smem:$0x3FBB] =	sst s10  }
0x38: {  	s10 =	sld [smem:$0x3FBC]  }
0x39: {  	_ = 	snop;
	(pc) =	sbr.ind lr, $3  }
0x3a: {  	_ = 	snop  }
0x3b: {  	_ = 	snop  }
0x3c: {  	p2 =	seq.s32 s10, $0x1;
	s10 =	sld [smem:$0x3FBB]  }
0x3d: {  	_ =	shalt  }
0x3e: {  	_ =	shalt  }
0x3f: {  	_ =	shalt  }
0x40: {  	_ =	shalt  }
0x41: {  	_ =	shalt  }
0x42: {  	_ =	shalt  }
0x43: {  	_ =	shalt  }
0x44: {  	_ =	shalt  }
0x45: {  	_ =	shalt  }
0x46: {  	_ =	shalt  }
0x47: {  	_ =	shalt  }
0x48: {  	_ =	shalt  }
0x49: {  	_ =	shalt  }
0x4a: {  	_ =	shalt  }
0x4b: {  	_ =	shalt  }
0x4c: {  	_ =	shalt  }
0x4d: {  	_ =	shalt  }
0x4e: {  	_ =	shalt  }
0x4f: {  	_ =	shalt  }
0x50: {  	_ =	shalt  }
0x51: {  	_ =	shalt  }
0x52: {  	_ =	shalt  }
0x53: {  	_ =	shalt  }
0x54: {  	_ =	shalt  }
0x55: {  	_ =	shalt  }
0x56: {  	_ =	shalt  }
0x57: {  	_ =	shalt  }
0x58: {  	_ =	shalt  }
0x59: {  	_ =	shalt  }
0x5a: {  	_ =	shalt  }
0x5b: {  	_ =	shalt  }
0x5c: {  	_ =	shalt  }
0x5d: {  	_ =	shalt  }
0x5e: {  	_ =	shalt  }
0x5f: {  	_ =	shalt  }
0x60: {  	_ =	shalt  }
0x61: {  	_ =	shalt  }
0x62: {  	_ =	shalt  }
0x63: {  	_ =	shalt  }
0x64: {  	_ =	shalt  }
0x65: {  	_ =	shalt  }
0x66: {  	_ =	shalt  }
0x67: {  	_ =	shalt  }
0x68: {  	_ =	shalt  }
0x69: {  	_ =	shalt  }
0x6a: {  	_ =	shalt  }
0x6b: {  	_ =	shalt  }
0x6c: {  	_ =	shalt  }
0x6d: {  	_ =	shalt  }
0x6e: {  	_ =	shalt  }
0x6f: {  	_ =	shalt  }
0x70: {  	_ =	shalt  }
0x71: {  	_ =	shalt  }
0x72: {  	_ =	shalt  }
0x73: {  	_ =	shalt  }
0x74: {  	_ =	shalt  }
0x75: {  	_ =	shalt  }
0x76: {  	_ =	shalt  }
0x77: {  	_ =	shalt  }
0x78: {  	_ =	shalt  }
0x79: {  	_ =	shalt  }
0x7a: {  	_ =	shalt  }
0x7b: {  	_ =	shalt  }
0x7c: {  	_ =	shalt  }
0x7d: {  	_ =	shalt  }
0x7e: {  	_ =	shalt  }
0x7f: {  	_ =	shalt  }
0x80: {  	_ =	shalt  }
0x81: {  	_ =	shalt  }
0x82: {  	_ =	shalt  }
0x83: {  	_ =	shalt  }
0x84: {  	_ =	shalt  }
0x85: {  	_ =	shalt  }
0x86: {  	_ =	shalt  }
0x87: {  	_ =	shalt  }
.Lfunc_end0:
.L_simem_size_0:
called_computation_lowered:
.L_overlay_start_0:
0x88: {  	s2 =	sld [smem:$0x3FD9]  }
0x89: {  	s3 =	sld [smem:$0x3FFE];
	_ =	sdelay $0x1  }
0x8a: {  	s1 =	srdreg.scid  }
0x8b: {  	s0 =	sand.u32 $0x1, s1  }
0x8c: {  	s16 =	sshll.u32 s0, $0xA;
	s2 =	sadd.s32 s3, s2  }
0x8d: {  	s2 =	sadd.s32 s2, s16  }
0x8e: {  	[smem:$0x3FC7] =	sst s2  }
0x8f: {  	_ = 	snop  }
0x90: {  	(tm) =	ssettm $0x1  }
0x91: {  	s17 =	sld [smem:$0x3FFB];
	_ =	sdelay $0x3  }
0x92: {  	_ =	strace s17  }
0x93: {  	s2 =	sld [smem:$0x3FFC];
	_ =	sdelay $0x3  }
0x94: {  	_ =	strace s2  }
0x95: {  	s2 =	sld [smem:$0x3FFD];
	_ =	sdelay $0x3  }
0x96: {  	_ =	strace s2  }
0x97: {  	_ =	strace $0x8FFFFFFF  }
0x98: {  	s18 =	sld [smem:$0x3FDB];
	_ =	sdelay $0x1  }
0x99: {  	s19 =	simm.s32 $_scs_section_size  }
0x9a: {  	s4 =	simm.s32 $_size__tile_overlayer_lowered;
	s5 =	simm.s32 $_tile_overlayer_lowered  }
0x9b: {  	s22 =	simm.s32 $0x1BFF;
	s21 =	sshll.u32 s5, $0x1;
	s2 =	sadd.s32 s19, s18  }
0x9c: {  	s6 =	simm.s32 $0x0;
	s20 =	sshll.u32 s4, $0x1;
	s4 =	sadd.s32 s21, s2  }
0x9d: {  	[timem:s6], [sflag:s22] =	dma.local [hbm:s4], s20  }
0x9e: {  	_ =	swait.ge [sflag:s22], s20  }
0x9f: {  	s3 =	ssub.s32 $0x0, s20;
	[sflag:s22] =	ssyncset.done $0x0  }
0xa0: {  	[sflag:s22] =	ssyncadd.s32 s3;
	_ =	sdelay $0x1  }
0xa1: {  	s23 =	simm.s32 $0x1B8B  }
0xa2: {  	_ =	swait.ge [sflag:s23], $0x1  }
0xa3: {  	[sflag:s23] =	ssyncset.done $0x0  }
0xa4: {  	s25 =	simm.s32 $0x1B8E;
	s24 =	sld [smem:$0x3FFE];
	[sflag:s23] =	ssyncadd.s32 $0xFFFFFFFF  }
0xa5: {  	s26 =	simm.s32 $execute0_lowered;
	[smem:$0x3FD2] =	sst s25  }
0xa6: {  	s4 =	sshll.u32 s26, $0x1;
	_ =	strace $0x80000046;
	[dreg:$0x1] =	wrdreg $0xFFFFFFFF  }
0xa7: {  	s28 =	simm.s32 $_size_execute0_lowered;
	s2 =	sadd.s32 s2, s4;
	[dreg:$0x0] =	wrdreg $0x0  }
0xa8: {  	s4 =	sshll.u32 s28, $0x1;
	[dreg:$0x2] =	wrdreg s2  }
0xa9: {  	[dreg:$0x3] =	wrdreg s4  }
0xaa: {  	[dreg:$0x4] =	wrdreg $0xC0  }
0xab: {  	_ =	task [dreg:s6], $0x5FFFF  }
0xac: {  	[dreg:$0x1] =	wrdreg $0xFFFFFFFF  }
0xad: {  	[dreg:$0x0] =	wrdreg $0x60  }
0xae: {  	[dreg:$0x2] =	wrdreg s24  }
0xaf: {  	[dreg:$0x3] =	wrdreg $0x9  }
0xb0: {  	_ =	task.clear_ibuf [dreg:s6], $0x4FFFF;
	_ =	strace $0x90000046  }
0xb1: {  	s29 =	simm.s32 $0x9;
	_ =	strace $0x80000048  }
0xb2: {  	_ =	swait.ge [sflag:s29], $0x1  }
0xb3: {  	[sflag:s29] =	ssyncadd.s32 $0xFFFFFFFF  }
0xb4: {  	_ =	strace $0x90000048  }
0xb5: {  	_ =	sfence  }
0xb6: {  	s30 =	sld [smem:$0x0];
	_ =	sdelay $0x2  }
0xb7: {  	s31 =	sshll.u32 s1, $0xD;
	s1 =	sshrl.u32 s1, $0x2  }
0xb8: {  	s3 =	sand.u32 $0x4000, s31;
	s1 =	sadd.s32 s1, s30  }
0xb9: {  	s0 =	sor.u32 s3, s0;
	s1 =	sshll.u32 s1, $0x11  }
0xba: {  	s0 =	sor.u32 s1, s0  }
0xbb: {  	s0 =	sadd.s32 $0x8F2B, s0  }
0xbc: {  	[sflag:s0] =	ssyncadd.remote.s32 $0x1  }
0xbd: {  	_ =	sfence.sel $0xFFFF  }
0xbe: {  	[dreg:$0x0] =	wrdreg $0xFFFFFFFF;
	(pc) =	sbr.abs _section_cstart, $3  }
0xbf: {  	[dreg:$0x1] =	wrdreg $0xFFFFFFFF  }
0xc0: {  	_ =	task.clear_ibuf [dreg:s6], $0x2FFFF;
	_ =	strace $0x9FFFFFFF  }
0xc1: {  	(tm) =	ssettm $0x7FFFFFFF  }
tec
execute0_lowered:
.L_overlay_start_1:
0x0: {  	(tag) =	ssettag $0x1  }
0x1: {  	s4 =	rddreg [dreg:$0x0];
	s1 =	srdreg.scid  }
0x2: {  	s0 =	rddreg [dreg:$0x1];
	s2 =	simm.s32 $0x0;
	s9 =	simm.s32 $0x0  }
0x3: {  	s5 =	sand.u32 $0x1, s1;
	[smem:$0x7FF] =	sst s2;
	s1 =	stileid.u32  }
0x4: {  	v0 =	vlaneseq.u32;
	s3 =	sadd.s32 $0x400, s4;
	s4 =	sadd.s32 $0x4C0400, s4;
	s6 =	ssub.s32 $0x2, s5  }
0x5: {  	v1 =	vmul.u32 $0x10, v0;
	v5 =	vmul.u32 $0xFFFFFFFF, v0;
	_ =	strace $0x80000047;
	s8 =	sshll.u32 s1, $0x1;
	s7 =	sshrl.u32 s6, $0x1  }
0x6: {  	v2 =	vimm.s32 $0x0;
	v4 =	vimm.s32 $0x1;
	s5 =	sor.u32 s5, s8;
	s8 =	simm.s32 $0x9000;
	s6 =	ssub.s32 s6, s7  }
0x7: {  	vm0 =	vmmov $0x1;
	v3 =	vor.u32 $0x8, v1;
	v5 =	vadd.s32 $0xF, v5;
	s5 =	smul.u32 $0x130000, s5;
	s7 =	simm.s32 $0x1;
	s6 =	smax.u32 s6, $0x1  }
.LBB2_1:
0x8: {  	s10 =	simm.s32 $0x0  }
.LBB2_2:
0x9: {  	s11 =	sshll.u32 s10, $0xF  }
0xa: {  	s11 =	sadd.s32 s5, s11  }
0xb: {  	s11 =	sshrl.u32 s11, $0x3  }
0xc: {  	s12 =	simm.s32 $0x0;
	s13 =	sadd.s32 s3, s11  }
0xd: {  	[tilespmem:s12], [sflag:$0x1] =	stream.linear.gather [hbm4b:s13+s12], $0x8000, $0x38;
	[tilespmem:$0x9100] =	vst v63  }
0xe: {  	_ =	swait.ge [sflag:s7], $0x8000  }
0xf: {  	[sflag:s7] =	ssyncset.done $0x0  }
0x10: {  	s14 =	simm.s32 $0x0;
	s13 =	simm.s32 $0x0;
	[sflag:s7] =	ssyncadd.s32 $0xFFFF8000  }
.LBB2_3:
0x11: {  	[tilespmem:$0x9000] =	vst v2  }
0x12: {  	[tilespmem:$0x9010] =	vst v2  }
0x13: {  	[tilespmem:$0x9020] =	vst v2  }
0x14: {  	[tilespmem:$0x9030] =	vst v2  }
0x15: {  	[tilespmem:$0x9040] =	vst v2  }
0x16: {  	[tilespmem:$0x9050] =	vst v2  }
0x17: {  	[tilespmem:$0x9060] =	vst v2  }
0x18: {  	[tilespmem:$0x9070] =	vst v2  }
0x19: {  	[tilespmem:$0x9080] =	vst v2  }
0x1a: {  	[tilespmem:$0x9090] =	vst v2  }
0x1b: {  	[tilespmem:$0x90A0] =	vst v2  }
0x1c: {  	s15 =	sshll.u32 s13, $0x2;
	s16 =	sand.u32 $0x7, s12;
	[tilespmem:$0x90B0] =	vst v2  }
0x1d: {  	[tilespmem:$0x90C0] =	vst v2;
	s15 =	sand.u32 $0xFFFF0000, s15;
	s16 =	sshll.u32 s16, $0x9  }
0x1e: {  	[tilespmem:$0x90D0] =	vst v2;
	s15 =	sor.u32 s16, s15  }
0x1f: {  	[tilespmem:$0x90E0] =	vst v2;
	s15 =	sshrl.u32 s15, $0x2  }
0x20: {  	[tilespmem:$0x90F0] =	vst v2;
	s15 =	sor.u32 $0x40, s15  }
0x21: {  	v6 =	vld [tilespmem:s15+$0xFFFFFFC0]  }
0x22: {  	v8 =	vld [tilespmem:s15+$0xFFFFFFD0]  }
0x23: {  	v9 =	vld [tilespmem:s15+$0x20]  }
0x24: {  	v10 =	vld [tilespmem:s15+$0x10];
	_ =	sdelay $0x1  }
0x25: {  	v7 =	vld [tilespmem:s15+$0xFFFFFFE0]  }
0x26: {  	v12 =	vld [tilespmem:s15+$0x30]  }
0x27: {  	v11 =	vshra.s32 v6, $0x1F  }
0x28: {  	v15 =	vshra.s32 v8, $0x1F;
	v16 =	vshra.s32 v10, $0x1F;
	v17 =	vshra.s32 v9, $0x1F  }
0x29: {  	v11 =	vand.u32 $0x7FFFFFFF, v11;
	v15 =	vand.u32 $0x7FFFFFFF, v15;
	v16 =	vand.u32 $0x7FFFFFFF, v16  }
0x2a: {  	s18 =	simm.s32 $0x8040;
	v13 =	vld [tilespmem:s15+$0x0];
	v6 =	vxor.u32 v6, v11;
	v11 =	vshra.s32 v7, $0x1F;
	v8 =	vxor.u32 v8, v15  }
0x2b: {  	v18 =	vld [tilespmem:s15+$0xFFFFFFF0];
	v15 =	vshra.s32 v12, $0x1F;
	v10 =	vxor.u32 v10, v16;
	v14 =	vshra.s32 v6, $0x1C;
	[tilespmem:s18+$0xFFFFFFC0] =	vst v6  }
0x2c: {  	s16 =	sadd.s32 $0x400, s15;
	v11 =	vand.u32 $0x7FFFFFFF, v11;
	v6 =	vand.u32 $0x7FFFFFFF, v17;
	[tilespmem:s18+$0xFFFFFFD0] =	vst v8;
	v8 =	vshra.s32 v8, $0x1C  }
0x2d: {  	v19 =	vld [tilespmem:s16+$0xFFFFFFE0];
	[tilespmem:s18+$0x10] =	vst v10;
	v10 =	vshra.s32 v10, $0x1C;
	v11 =	vxor.u32 v7, v11;
	v8 =	vadd.s32 v3, v8  }
0x2e: {  	v7 =	vand.u32 $0x7FFFFFFF, v15;
	v6 =	vxor.u32 v9, v6;
	v15 =	vld [tilespmem:s16+$0xFFFFFFC0];
	v10 =	vadd.s32 v3, v10  }
0x2f: {  	v20 =	vld [tilespmem:s16+$0xFFFFFFD0];
	v12 =	vxor.u32 v12, v7;
	v7 =	vshra.s32 v13, $0x1F;
	v9 =	vshra.s32 v6, $0x1C;
	[tilespmem:s18+$0xFFFFFFE0] =	vst v11  }
0x30: {  	[tilespmem:s18+$0x20] =	vst v6;
	v6 =	vld [tilespmem:s16+$0x10];
	v17 =	vadd.s32 v3, v9;
	v9 =	vshra.s32 v18, $0x1F;
	v7 =	vand.u32 $0x7FFFFFFF, v7  }
0x31: {  	[tilespmem:s18+$0x30] =	vst v12;
	v12 =	vshra.s32 v12, $0x1C;
	v21 =	vand.u32 $0x7FFFFFFF, v9;
	v13 =	vxor.u32 v13, v7;
	v9 =	vld [tilespmem:s16+$0x20]  }
0x32: {  	v7 =	vadd.s32 v3, v14;
	v22 =	vadd.s32 v3, v12;
	v14 =	vshra.s32 v13, $0x1C;
	[tilespmem:v8+s8+$0x0] =	vst.idx.add.s32.msk $0xffff, v4  }
0x33: {  	v16 =	vxor.u32 v18, v21;
	[tilespmem:s18+$0x0] =	vst v13;
	v18 =	vshra.s32 v15, $0x1F;
	v21 =	vadd.s32 v3, v14;
	v14 =	vld [tilespmem:s16+$0x30]  }
0x34: {  	v8 =	vshra.s32 v11, $0x1C;
	[tilespmem:v10+s8+$0x0] =	vst.idx.add.s32.msk $0xffff, v4;
	v11 =	vand.u32 $0x7FFFFFFF, v18  }
0x35: {  	v13 =	vshra.s32 v19, $0x1F;
	[tilespmem:s18+$0xFFFFFFF0] =	vst v16;
	v12 =	vxor.u32 v15, v11;
	v11 =	vld [tilespmem:s16+$0x0];
	v15 =	vshra.s32 v16, $0x1C  }
0x36: {  	s17 =	simm.s32 $0x80C0;
	v13 =	vand.u32 $0x7FFFFFFF, v13;
	[tilespmem:v17+s8+$0x0] =	vst.idx.add.s32.msk $0xffff, v4;
	v16 =	vshra.s32 v20, $0x1F;
	v23 =	vadd.s32 v3, v15  }
0x37: {  	v8 =	vadd.s32 v3, v8;
	[tilespmem:s17+$0xFFFFFFC0] =	vst v12;
	v15 =	vshra.s32 v12, $0x1C;
	v16 =	vand.u32 $0x7FFFFFFF, v16  }
0x38: {  	v12 =	vshra.s32 v6, $0x1F;
	v17 =	vshra.s32 v9, $0x1F;
	[tilespmem:v22+s8+$0x0] =	vst.idx.add.s32.msk $0xffff, v4;
	v10 =	vadd.s32 v3, v15  }
0x39: {  	v15 =	vxor.u32 v20, v16;
	v16 =	vxor.u32 v19, v13;
	v18 =	vand.u32 $0x7FFFFFFF, v17;
	[tilespmem:v21+s8+$0x0] =	vst.idx.add.s32.msk $0xffff, v4  }
0x3a: {  	v13 =	vld [tilespmem:s16+$0xFFFFFFF0];
	[tilespmem:s17+$0xFFFFFFD0] =	vst v15;
	v17 =	vshra.s32 v15, $0x1C;
	v15 =	vshra.s32 v16, $0x1C;
	v19 =	vshra.s32 v11, $0x1F  }
0x3b: {  	s19 =	simm.s32 $0x8;
	s20 =	sadd.s32 $0x400, s16;
	s18 =	simm.s32 $0x80C0;
	v20 =	vshra.s32 v14, $0x1F;
	v15 =	vadd.s32 v3, v15;
	v19 =	vand.u32 $0x7FFFFFFF, v19;
	[tilespmem:v23+s8+$0x0] =	vst.idx.add.s32.msk $0xffff, v4  }
.LBB2_4:
0x3c: {  	s19 =	sadd.s32 $0x8, s19;
	v19 =	vxor.u32 v11, v19;
	v9 =	vxor.u32 v9, v18;
	v11 =	vand.u32 $0x7FFFFFFF, v20;
	s17 =	sadd.s32 $0x80, s17;
	[tilespmem:v7+s8+$0x0] =	vst.idx.add.s32.msk $0xffff, v4  }
0x3d: {  	v7 =	vmovc v10;
	p0 =	slt.u32 s19, $0x78;
	v18 =	vshra.s32 v19, $0x1C;
	v20 =	vshra.s32 v9, $0x1C;
	v11 =	vxor.u32 v14, v11;
	[tilespmem:v8+s8+$0x0] =	vst.idx.add.s32.msk $0xffff, v4  }
0x3e: {  	v14 =	vadd.s32 v3, v17;
	v8 =	vmovc v15;
	v10 =	vld [tilespmem:s20+$0xFFFFFFC0];
	v17 =	vadd.s32 v3, v20;
	[tilespmem:s18+$0x30] =	vst v11;
	v11 =	vshra.s32 v11, $0x1C  }
0x3f: {  	v12 =	vand.u32 $0x7FFFFFFF, v12;
	v15 =	vld [tilespmem:s20+$0xFFFFFFE0];
	[tilespmem:s18+$0xFFFFFFE0] =	vst v16;
	v16 =	vshra.s32 v13, $0x1F;
	v20 =	vadd.s32 v3, v11  }
0x40: {  	v6 =	vxor.u32 v6, v12;
	v21 =	vld [tilespmem:s20+$0xFFFFFFD0];
	v11 =	vand.u32 $0x7FFFFFFF, v16;
	[tilespmem:s18+$0x20] =	vst v9  }
0x41: {  	v9 =	vld [tilespmem:s20+$0x20];
	v12 =	vxor.u32 v13, v11;
	[tilespmem:s18+$0x10] =	vst v6;
	v11 =	vshra.s32 v6, $0x1C  }
0x42: {  	v6 =	vld [tilespmem:s20+$0x10];
	[tilespmem:s18+$0xFFFFFFF0] =	vst v12;
	v13 =	vadd.s32 v3, v11  }
0x43: {  	v16 =	vadd.s32 v3, v18;
	v11 =	vshra.s32 v10, $0x1F;
	[tilespmem:v14+s8+$0x0] =	vst.idx.add.s32.msk $0xffff, v4  }
0x44: {  	v11 =	vand.u32 $0x7FFFFFFF, v11;
	v18 =	vshra.s32 v15, $0x1F;
	[tilespmem:v17+s8+$0x0] =	vst.idx.add.s32.msk $0xffff, v4  }
0x45: {  	v12 =	vshra.s32 v12, $0x1C;
	v10 =	vxor.u32 v10, v11;
	v11 =	vld [tilespmem:s20+$0x0];
	[tilespmem:s18+$0x0] =	vst v19;
	s18 =	smov.u32 s17  }
0x46: {  	v22 =	vadd.s32 v3, v12;
	v17 =	vshra.s32 v21, $0x1F;
	[tilespmem:s17+$0xFFFFFFC0] =	vst v10;
	v10 =	vshra.s32 v10, $0x1C;
	v14 =	vld [tilespmem:s20+$0x30]  }
.Ltmp0:
0x47: {  	v17 =	vand.u32 $0x7FFFFFFF, v17;
	v19 =	vshra.s32 v9, $0x1F;
	v12 =	vshra.s32 v6, $0x1F;
	[tilespmem:v13+s8+$0x0] =	vst.idx.add.s32.msk $0xffff, v4;
	(pc) =	sbr.rel @p0 .LBB2_4-.Ltmp0, $4  }
0x48: {  	v10 =	vadd.s32 v3, v10;
	v13 =	vxor.u32 v21, v17;
	v17 =	vand.u32 $0x7FFFFFFF, v18;
	[tilespmem:v16+s8+$0x0] =	vst.idx.add.s32.msk $0xffff, v4  }
0x49: {  	v18 =	vand.u32 $0x7FFFFFFF, v19;
	v16 =	vxor.u32 v15, v17;
	[tilespmem:v20+s8+$0x0] =	vst.idx.add.s32.msk $0xffff, v4  }
0x4a: {  	v17 =	vshra.s32 v13, $0x1C;
	v15 =	vshra.s32 v16, $0x1C;
	[tilespmem:s17+$0xFFFFFFD0] =	vst v13;
	v13 =	vld [tilespmem:s20+$0xFFFFFFF0];
	v19 =	vshra.s32 v11, $0x1F  }
0x4b: {  	v15 =	vadd.s32 v3, v15;
	s20 =	sadd.s32 $0x400, s20;
	v19 =	vand.u32 $0x7FFFFFFF, v19;
	v20 =	vshra.s32 v14, $0x1F;
	[tilespmem:v22+s8+$0x0] =	vst.idx.add.s32.msk $0xffff, v4  }
0x4c: {  	_ =	sdelay $0x3  }
0x4d: {  	[tilespmem:v7+s8+$0x0] =	vst.idx.add.s32.msk $0xffff, v4  }
0x4e: {  	[tilespmem:v8+s8+$0x0] =	vst.idx.add.s32.msk $0xffff, v4  }
0x4f: {  	[tilespmem:s18+$0xFFFFFFE0] =	vst v16  }
0x50: {  	v20 =	vand.u32 $0x7FFFFFFF, v20;
	v7 =	vxor.u32 v9, v18;
	[tilespmem:v10+s8+$0x0] =	vst.idx.add.s32.msk $0xffff, v4  }
0x51: {  	v12 =	vand.u32 $0x7FFFFFFF, v12;
	v11 =	vxor.u32 v11, v19;
	v8 =	vshra.s32 v7, $0x1C;
	[tilespmem:s18+$0x20] =	vst v7  }
0x52: {  	v9 =	vxor.u32 v14, v20;
	v6 =	vxor.u32 v6, v12;
	[tilespmem:s18+$0x0] =	vst v11;
	v8 =	vadd.s32 v3, v8  }
0x53: {  	v14 =	vadd.s32 v3, v17;
	[tilespmem:v15+s8+$0x0] =	vst.idx.add.s32.msk $0xffff, v4;
	v7 =	vshra.s32 v6, $0x1C;
	v16 =	vshra.s32 v13, $0x1F  }
0x54: {  	[tilespmem:s18+$0x10] =	vst v6;
	v6 =	vadd.s32 v3, v7;
	v7 =	vshra.s32 v9, $0x1C;
	v12 =	vand.u32 $0x7FFFFFFF, v16  }
0x55: {  	[tilespmem:s18+$0x30] =	vst v9;
	v16 =	vshra.s32 v11, $0x1C;
	v7 =	vadd.s32 v3, v7;
	v12 =	vxor.u32 v13, v12  }
0x56: {  	v9 =	vadd.s32 v3, v16;
	[tilespmem:s18+$0xFFFFFFF0] =	vst v12;
	v12 =	vshra.s32 v12, $0x1C  }
0x57: {  	[tilespmem:v8+s8+$0x0] =	vst.idx.add.s32.msk $0xffff, v4;
	v8 =	vadd.s32 v3, v12  }
0x58: {  	[tilespmem:v14+s8+$0x0] =	vst.idx.add.s32.msk $0xffff, v4  }
0x59: {  	[tilespmem:v6+s8+$0x0] =	vst.idx.add.s32.msk $0xffff, v4  }
0x5a: {  	[tilespmem:v7+s8+$0x0] =	vst.idx.add.s32.msk $0xffff, v4  }
0x5b: {  	[tilespmem:v9+s8+$0x0] =	vst.idx.add.s32.msk $0xffff, v4  }
0x5c: {  	[tilespmem:v8+s8+$0x0] =	vst.idx.add.s32.msk $0xffff, v4  }
0x5d: {  	v6 =	vld [tilespmem:$0x9000]  }
0x5e: {  	v7 =	vld [tilespmem:$0x9010]  }
0x5f: {  	v8 =	vld [tilespmem:$0x9020]  }
0x60: {  	v9 =	vld [tilespmem:$0x9030]  }
0x61: {  	v10 =	vld [tilespmem:$0x9040]  }
0x62: {  	v11 =	vld [tilespmem:$0x9050]  }
0x63: {  	v6 =	vadd.s32 v6, v7;
	v7 =	vld [tilespmem:$0x9060]  }
0x64: {  	v6 =	vadd.s32 v6, v8;
	v8 =	vld [tilespmem:$0x9070]  }
0x65: {  	v6 =	vadd.s32 v6, v9;
	v9 =	vld [tilespmem:$0x9080]  }
0x66: {  	v6 =	vadd.s32 v6, v10;
	v10 =	vld [tilespmem:$0x9090]  }
0x67: {  	v6 =	vadd.s32 v6, v11;
	v11 =	vld [tilespmem:$0x90A0]  }
0x68: {  	v6 =	vadd.s32 v6, v7;
	v7 =	vld [tilespmem:$0x90B0]  }
0x69: {  	v6 =	vadd.s32 v6, v8;
	v8 =	vld [tilespmem:$0x90C0]  }
0x6a: {  	v6 =	vadd.s32 v6, v9;
	v9 =	vld [tilespmem:$0x90D0]  }
0x6b: {  	v6 =	vadd.s32 v6, v10;
	v10 =	vld [tilespmem:$0x90E0]  }
0x6c: {  	v6 =	vadd.s32 v6, v11;
	v11 =	vld [tilespmem:$0x90F0]  }
0x6d: {  	v6 =	vadd.s32 v6, v7  }
0x6e: {  	v6 =	vadd.s32 v6, v8  }
0x6f: {  	v6 =	vadd.s32 v6, v9  }
0x70: {  	v6 =	vadd.s32 v6, v10  }
0x71: {  	v13 =	vadd.s32 v6, v11  }
0x72: {  	v6 =	vperm.xlane v13, v5;
	_ =	sdelay $0x1  }
0x73: {  	(xrf0) =	vadd.scan.msk.s32 $0xffff, v6;
	_ =	sdelay $0x5  }
0x74: {  	v6, _, _ =	vpop (xrf0)  }
0x75: {  	vm1 =	vgt.s32 v6, $0x1F  }
0x76: {  	v6 =	vmctz.xlane vm1;
	_ =	sdelay $0x1  }
0x77: {  	v6 =	vxor.u32 $0x80000000, v6  }
0x78: {  	(xrf0) =	vmax.scan.msk.u32 $0xffff, v6;
	_ =	sdelay $0x5  }
0x79: {  	v6, _, _ =	vpop (xrf0)  }
0x7a: {  	(v2sf) =	vpush v6, $0xF;
	_ =	sdelay $0xa  }
0x7b: {  	s17 =	simm.s32 $0x8020  }
0x7c: {  	v19 =	vld [tilespmem:s17+$0xFFFFFFE0];
	_ =	sdelay $0x1  }
0x7d: {  	v6 =	vld [tilespmem:s17+$0xFFFFFFF0]  }
0x7e: {  	s29 =	spop (v2sf)  }
0x7f: {  	s18 =	sxor.u32 $0x80000000, s29  }
0x80: {  	v7 =	vld [tilespmem:s17+$0x0];
	v8 =	vshra.s32 v19, $0x1C;
	s18 =	ssub.s32 $0xF, s18  }
0x81: {  	v9 =	vadd.s32 $0x8, v8;
	v8 =	vld [tilespmem:s17+$0x10];
	v15 =	vmov s18  }
0x82: {  	vm3 =	veq.s32 v9, v15;
	v9 =	vshra.s32 v6, $0x1C  }
0x83: {  	v10 =	vmpcnt.ones.xlane vm3;
	v9 =	vadd.s32 $0x8, v9  }
0x84: {  	vm4 =	veq.s32 v9, v15  }
0x85: {  	s30 =	simm.s32 $0x8060;
	v9 =	vshra.s32 v7, $0x1C;
	v10 =	vxor.u32 $0x80000000, v10;
	v11 =	vmpcnt.ones.xlane vm4  }
0x86: {  	v14 =	vshra.s32 v8, $0x1C;
	v12 =	vadd.s32 $0x8, v9;
	v9 =	vld [tilespmem:s30+$0xFFFFFFE0];
	(xrf0) =	vmax.scan.msk.u32 $0xffff, v10  }
0x87: {  	vm1 =	veq.s32 v12, v15;
	v12 =	vadd.s32 $0x8, v14;
	v10 =	vld [tilespmem:s30+$0xFFFFFFF0];
	v11 =	vxor.u32 $0x80000000, v11  }
0x88: {  	v14 =	vmpcnt.ones.xlane vm1;
	vm2 =	veq.s32 v12, v15;
	(xrf0) =	vmax.scan.msk.u32 $0xffff, v11  }
0x89: {  	v12 =	vmpcnt.ones.xlane vm2;
	v11 =	vld [tilespmem:s30+$0x0]  }
0x8a: {  	v14 =	vxor.u32 $0x80000000, v14  }
0x8b: {  	(xrf0) =	vmax.scan.msk.u32 $0xffff, v14;
	v14 =	vshra.s32 v9, $0x1C;
	v16 =	vxor.u32 $0x80000000, v12  }
0x8c: {  	v12 =	vld [tilespmem:s30+$0x10];
	v14 =	vadd.s32 $0x8, v14;
	v17, _, _ =	vpop (xrf0);
	(xrf0) =	vmax.scan.msk.u32 $0xffff, v16;
	v16 =	vshra.s32 v10, $0x1C  }
0x8d: {  	vm6 =	veq.s32 v14, v15;
	(v2sf) =	vpush v17, $0xF;
	v14 =	vadd.s32 $0x8, v16  }
0x8e: {  	s31 =	simm.s32 $0x80A0;
	v16 =	vmpcnt.ones.xlane vm6;
	v17, _, _ =	vpop (xrf0);
	vm7 =	veq.s32 v14, v15;
	v14 =	vshra.s32 v11, $0x1C  }
0x8f: {  	(v2sf) =	vpush v17, $0xF;
	v17 =	vmpcnt.ones.xlane vm7;
	v18 =	vadd.s32 $0x8, v14;
	v14 =	vld [tilespmem:s31+$0xFFFFFFE0]  }
0x90: {  	v16 =	vxor.u32 $0x80000000, v16;
	vm9 =	veq.s32 v18, v15  }
0x91: {  	v18 =	vshra.s32 v12, $0x1C;
	v20, _, _ =	vpop (xrf0);
	(xrf0) =	vmax.scan.msk.u32 $0xffff, v16;
	v16 =	vld [tilespmem:s31+$0xFFFFFFF0];
	v17 =	vxor.u32 $0x80000000, v17;
	v21 =	vmpcnt.ones.xlane vm9  }
0x92: {  	v18 =	vadd.s32 $0x8, v18;
	(v2sf) =	vpush v20, $0xF;
	v20, _, _ =	vpop (xrf0);
	(xrf0) =	vmax.scan.msk.u32 $0xffff, v17  }
0x93: {  	vm10 =	vmmov vm1;
	vm1 =	veq.s32 v18, v15;
	v18 =	vxor.u32 $0x80000000, v21  }
0x94: {  	vm4 =	vmmov vm4;
	vm5 =	vmmov vm2;
	v17 =	vld [tilespmem:s31+$0x0];
	(xrf0) =	vmax.scan.msk.u32 $0xffff, v18;
	v18 =	vshra.s32 v14, $0x1C  }
0x95: {  	vm2 =	vmmov vm7;
	(v2sf) =	vpush v20, $0xF;
	v18 =	vadd.s32 $0x8, v18  }
0x96: {  	v20 =	vmpcnt.ones.xlane vm1;
	vm7 =	veq.s32 v18, v15;
	v18 =	vshra.s32 v16, $0x1C  }
0x97: {  	vm8 =	vmmov vm4;
	vm4 =	vmmov vm9;
	v21, _, _ =	vpop (xrf0);
	v18 =	vadd.s32 $0x8, v18  }
0x98: {  	v20 =	vxor.u32 $0x80000000, v20;
	(v2sf) =	vpush v21, $0xF;
	v22, _, _ =	vpop (xrf0);
	vm9 =	veq.s32 v18, v15;
	v18 =	vld [tilespmem:s31+$0x10]  }
0x99: {  	(xrf0) =	vmax.scan.msk.u32 $0xffff, v20;
	v20 =	vshra.s32 v17, $0x1C;
	(v2sf) =	vpush v22, $0xF  }
0x9a: {  	vm3 =	vmmov vm3;
	v21 =	vmpcnt.ones.xlane vm7  }
0x9b: {  	s19 =	simm.s32 $0x0;
	vm11 =	vmmov vm3;
	vm3 =	vmmov vm6;
	vm6 =	vmmov vm10  }
0x9c: {  	s17 =	simm.s32 $0x8;
	s18 =	simm.s32 $0x80E0;
	[tilespmem:s19+$0x8800] =	vst.msk vm11, v19;
	v21 =	vxor.u32 $0x80000000, v21;
	v19 =	vmpcnt.ones.xlane vm9;
	v22 =	vadd.s32 $0x8, v20;
	v20, _, _ =	vpop (xrf0)  }
.LBB2_6:
0x9d: {  	vm10 =	veq.s32 v22, v15;
	v24 =	vshra.s32 v18, $0x1C  }
0x9e: {  	v23 =	vld [tilespmem:s18+$0xFFFFFFE0];
	s17 =	sadd.s32 $0x4, s17;
	(xrf0) =	vmax.scan.msk.u32 $0xffff, v21;
	(v2sf) =	vpush v20, $0xF;
	s20 =	spop (v2sf);
	v20 =	vmovc v17;
	v21 =	vmov v18;
	vm11 =	vmmov vm5  }
0x9f: {  	p0 =	slt.u32 s17, $0x7C;
	v17 =	vxor.u32 $0x80000000, v19;
	v18 =	vmpcnt.ones.xlane vm10;
	v19 =	vadd.s32 $0x8, v24;
	v22, _, _ =	vpop (xrf0);
	s19 =	sadd.s32 s20, s19  }
0xa0: {  	vm5 =	vmmov vm1;
	v24 =	vld [tilespmem:s18+$0xFFFFFFF0];
	(xrf0) =	vmax.scan.msk.u32 $0xffff, v17;
	(v2sf) =	vpush v22, $0xF;
	s19 =	sadd.s32 $0x80000000, s19;
	s20 =	spop (v2sf);
	vm1 =	veq.s32 v19, v15  }
0xa1: {  	vm12 =	vmmov vm3;
	v18 =	vxor.u32 $0x80000000, v18;
	v19 =	vmpcnt.ones.xlane vm1;
	[tilespmem:s19+$0x8800] =	vst.msk vm8, v6;
	s19 =	sadd.s32 s20, s19;
	v6 =	vmovc v10;
	v10 =	vmovc v16  }
0xa2: {  	vm3 =	vmmov vm7;
	vm8 =	vmmov vm2;
	vm2 =	vmmov vm9;
	v17 =	vld [tilespmem:s18+$0x0];
	(xrf0) =	vmax.scan.msk.u32 $0xffff, v18;
	s19 =	sadd.s32 $0x80000000, s19;
	s20 =	spop (v2sf)  }
0xa3: {  	v25 =	vshra.s32 v23, $0x1C;
	v19 =	vxor.u32 $0x80000000, v19;
	[tilespmem:s19+$0x8800] =	vst.msk vm6, v7;
	s19 =	sadd.s32 s20, s19;
	v7 =	vmovc v11;
	v11 =	vmovc v20;
	vm6 =	vmmov vm4  }
.Ltmp1:
0xa4: {  	vm4 =	vmmov vm10;
	v26 =	vadd.s32 $0x8, v25;
	v18 =	vld [tilespmem:s18+$0x10];
	v20, _, _ =	vpop (xrf0);
	(xrf0) =	vmax.scan.msk.u32 $0xffff, v19;
	s19 =	sadd.s32 $0x80000000, s19;
	s20 =	spop (v2sf);
	(pc) =	sbr.rel @p0 .LBB2_6-.Ltmp1, $4  }
0xa5: {  	vm7 =	veq.s32 v26, v15;
	v19 =	vshra.s32 v24, $0x1C;
	(v2sf) =	vpush v20, $0xF;
	[tilespmem:s19+$0x8800] =	vst.msk vm11, v8;
	s19 =	sadd.s32 s20, s19;
	v16 =	vmovc v24;
	v8 =	vmovc v12  }
0xa6: {  	v12 =	vmov v21;
	v25 =	vmpcnt.ones.xlane vm7;
	v19 =	vadd.s32 $0x8, v19;
	v22, _, _ =	vpop (xrf0);
	s19 =	sadd.s32 $0x80000000, s19  }
0xa7: {  	vm9 =	veq.s32 v19, v15;
	v24 =	vshra.s32 v17, $0x1C;
	(v2sf) =	vpush v22, $0xF;
	[tilespmem:s19+$0x8800] =	vst.msk vm12, v9;
	v9 =	vmovc v14;
	v14 =	vmovc v23  }
0xa8: {  	s18 =	sadd.s32 $0x40, s18;
	v21 =	vxor.u32 $0x80000000, v25;
	v19 =	vmpcnt.ones.xlane vm9;
	v22 =	vadd.s32 $0x8, v24;
	v20, _, _ =	vpop (xrf0)  }
0xa9: {  	v23 =	vshra.s32 v18, $0x1C  }
0xaa: {  	vm11 =	veq.s32 v22, v15;
	v50 =	vadd.s32 $0x8, v23  }
0xab: {  	v51 =	vmpcnt.ones.xlane vm11;
	vm10 =	veq.s32 v50, v15  }
0xac: {  	(xrf0) =	vmax.scan.msk.u32 $0xffff, v21;
	v19 =	vxor.u32 $0x80000000, v19;
	v52 =	vmpcnt.ones.xlane vm10  }
0xad: {  	(xrf0) =	vmax.scan.msk.u32 $0xffff, v19;
	v53 =	vxor.u32 $0x80000000, v51  }
0xae: {  	vm12 =	vlt.s32 v15, v0;
	(xrf0) =	vmax.scan.msk.u32 $0xffff, v53;
	v54 =	vxor.u32 $0x80000000, v52  }
0xaf: {  	v55 =	vnsel vm12, $0x0, v13;
	vm12 =	veq.s32 v15, v0;
	(xrf0) =	vmax.scan.msk.u32 $0xffff, v54  }
0xb0: {  	v57, _, _ =	vpop (xrf0);
	v56 =	vnsel vm12, $0x0, v13;
	(xrf0) =	vadd.scan.msk.s32 $0xffff, v55  }
0xb1: {  	(v2sf) =	vpush v20, $0xF;
	(xrf0) =	vadd.scan.msk.s32 $0xffff, v56  }
0xb2: {  	(v2sf) =	vpush v57, $0xF;
	v58, _, _ =	vpop (xrf0)  }
0xb3: {  	s17 =	spop (v2sf);
	(v2sf) =	vpush v58, $0xF;
	v59, _, _ =	vpop (xrf0)  }
0xb4: {  	s18 =	spop (v2sf);
	(v2sf) =	vpush v59, $0xF;
	v60, _, _ =	vpop (xrf0)  }
0xb5: {  	s17 =	sadd.s32 s17, s19;
	(v2sf) =	vpush v60, $0xF;
	v61, _, _ =	vpop (xrf0)  }
0xb6: {  	s17 =	sadd.s32 $0x80000000, s17;
	s30 =	spop (v2sf);
	(v2sf) =	vpush v61, $0xF;
	v62, _, _ =	vpop (xrf0)  }
0xb7: {  	s18 =	sadd.s32 s18, s17;
	(v2sf) =	vpush v62, $0xF;
	v63, _, _ =	vpop (xrf0)  }
0xb8: {  	s18 =	sadd.s32 $0x80000000, s18;
	s20 =	spop (v2sf);
	(v2sf) =	vpush v63, $0xF  }
0xb9: {  	s19 =	sadd.s32 s30, s18  }
0xba: {  	s19 =	sadd.s32 $0x80000000, s19  }
0xbb: {  	s20 =	sadd.s32 s20, s19  }
0xbc: {  	s20 =	sadd.s32 $0x80000000, s20;
	s21 =	spop (v2sf)  }
0xbd: {  	s21 =	sadd.s32 s21, s20  }
0xbe: {  	s22 =	spop (v2sf);
	s21 =	sadd.s32 $0x80000000, s21  }
0xbf: {  	s22 =	sadd.s32 s22, s21  }
0xc0: {  	s23 =	spop (v2sf);
	s22 =	sadd.s32 $0x80000000, s22  }
0xc1: {  	[tilespmem:s17+$0x8800] =	vst.msk vm8, v6;
	s31 =	sadd.s32 s23, s22;
	s23 =	spop (v2sf)  }
0xc2: {  	vm5 =	vmmov vm5;
	[tilespmem:s18+$0x8800] =	vst.msk vm6, v7;
	s17 =	sadd.s32 $0x80000000, s31;
	s24 =	spop (v2sf)  }
0xc3: {  	vm3 =	vmmov vm3;
	[tilespmem:s19+$0x8800] =	vst.msk vm5, v8;
	s18 =	sadd.s32 s23, s17;
	s25 =	spop (v2sf)  }
0xc4: {  	[tilespmem:s20+$0x8800] =	vst.msk vm3, v9;
	vm3 =	vmmov vm4;
	s18 =	sadd.s32 $0x80000000, s18;
	s26 =	spop (v2sf)  }
0xc5: {  	[tilespmem:s22+$0x8800] =	vst.msk vm3, v11;
	vm3 =	vmmov vm9;
	s19 =	sadd.s32 s24, s18;
	s29 =	spop (v2sf)  }
0xc6: {  	vm3 =	vmmov vm3;
	s19 =	sadd.s32 $0x80000000, s19;
	s30 =	spop (v2sf)  }
0xc7: {  	s28 =	sadd.s32 s25, s19;
	[tilespmem:s19+$0x8800] =	vst.msk vm3, v16;
	s19 =	spop (v2sf)  }
0xc8: {  	vm2 =	vmmov vm2;
	vm1 =	vmmov vm1;
	p1 =	slt.s32 s19, $0x11  }
.Ltmp2:
0xc9: {  	vm1 =	vmmov vm1;
	[tilespmem:s21+$0x8800] =	vst.msk vm2, v10;
	vm2 =	vmmov vm7;
	(pc) =	sbr.rel @p1 .LBB2_24-.Ltmp2, $4  }
.Ltmp3:
0xca: {  	vm2 =	vmmov vm2;
	[tilespmem:s17+$0x8800] =	vst.msk vm1, v12;
	vm1 =	vmmov vm11;
	s17 =	sadd.s32 $0x80000000, s28;
	(pc) =	sbr.rel @!p1 .LBB2_8-.Ltmp3, $4  }
0xcb: {  	vm1 =	vmmov vm1;
	[tilespmem:s18+$0x8800] =	vst.msk vm2, v14;
	vm2 =	vmmov vm10;
	s20 =	sadd.s32 s26, s17  }
0xcc: {  	[tilespmem:s17+$0x8800] =	vst.msk vm1, v17;
	vm1 =	vmmov vm2;
	s31 =	sadd.s32 $0x80000000, s20  }
0xcd: {  	p0 =	por $0x0, $0x0;
	s18 =	simm.s32 $0x18;
	[tilespmem:s31+$0x8800] =	vst.msk vm1, v18;
	s17 =	ssub.s32 $0x20, s30  }
0xce: {  	_ = 	snop  }
.LBB2_17:
0xcf: {  	s23 =	simm.s32 $0x0;
	s20 =	simm.s32 $0x0  }
.LBB2_21:
0xd0: {  	s23 =	sadd.s32 @p0 $0x10, s23;
	s24 =	simm.s32 $0x0  }
0xd1: {  	v7 =	vshra.s32 v9, v7;
	s24 =	smov.u32 @p0 s23  }
0xd2: {  	v7 =	vand.u32 $0xF, v7;
	v10 =	vor.u32 s24, v0  }
0xd3: {  	vm2 =	veq.s32 v7, v8;
	vm1 =	vlt.s32 v10, v6  }
0xd4: {  	vm1 =	vmand vm1, vm2  }
0xd5: {  	v6 =	vmpcnt.ones.xlane vm1;
	_ =	sdelay $0x1  }
0xd6: {  	v6 =	vxor.u32 $0x80000000, v6  }
0xd7: {  	(xrf0) =	vmax.scan.msk.u32 $0xffff, v6;
	_ =	sdelay $0x5  }
0xd8: {  	v6, _, _ =	vpop (xrf0)  }
0xd9: {  	(v2sf) =	vpush v6, $0xF;
	_ =	sdelay $0xa  }
0xda: {  	s23 =	spop @p0 (v2sf)  }
0xdb: {  	s20 =	sadd.s32 @p0 s23, s20  }
0xdc: {  	s20 =	sadd.s32 @p0 $0x80000000, s20  }
0xdd: {  	s22 =	smov.u32 @p0 s20  }
0xde: {  	[tilespmem:s22+$0x8800] =	vst.msk vm1, v9;
	s31 =	spop (v2sf)  }
.LBB2_22:
0xdf: {  	p1 =	slt.s32 s19, $0x11  }
0xe0: {  	p0 =	sne.s32 @!p1 s18, $0x0  }
0xe1: {  	p0 =	por p1, !p0  }
.Ltmp4:
0xe2: {  	_ = 	snop;
	(pc) =	sbr.rel @p0 .LBB2_23-.Ltmp4, $2  }
0xe3: {  	_ =	sdelay $0x2  }
0xe4: {  	s17 =	ssub.s32 s17, s21;
	s18 =	sadd.s32 $0xFFFFFFFC, s18  }
.LBB2_8:
0xe5: {  	[tilespmem:$0x9000] =	vst v2  }
0xe6: {  	[tilespmem:$0x9010] =	vst v2  }
0xe7: {  	[tilespmem:$0x9020] =	vst v2  }
0xe8: {  	[tilespmem:$0x9030] =	vst v2;
	s20 =	sadd.s32 $0xF, s19  }
0xe9: {  	[tilespmem:$0x9040] =	vst v2;
	s21 =	sand.u32 $0xF, s20  }
0xea: {  	[tilespmem:$0x9050] =	vst v2;
	s31 =	sshra.s32 s20, $0x1F;
	p1 =	slt.s32 s20, $0x0;
	p0 =	sne.s32 s21, $0x0  }
0xeb: {  	[tilespmem:$0x9060] =	vst v2;
	s21 =	sshrl.u32 s31, $0x1C;
	p0 =	por !p1, !p0  }
0xec: {  	[tilespmem:$0x9070] =	vst v2;
	s20 =	sadd.s32 s21, s20;
	s21 =	simm.s32 $0x1;
	p0 =	por !p0, !p0  }
0xed: {  	[tilespmem:$0x9080] =	vst v2;
	s20 =	sshra.s32 s20, $0x4;
	s21 =	simm.s32 @!p0 $0x0  }
0xee: {  	[tilespmem:$0x9090] =	vst v2;
	s20 =	ssub.s32 s20, s21  }
0xef: {  	[tilespmem:$0x90A0] =	vst v2;
	p0 =	slt.s32 s20, $0x1  }
.Ltmp5:
0xf0: {  	[tilespmem:$0x90B0] =	vst v2;
	(pc) =	sbr.rel @p0 .LBB2_15-.Ltmp5, $4  }
0xf1: {  	[tilespmem:$0x90C0] =	vst v2  }
0xf2: {  	[tilespmem:$0x90D0] =	vst v2  }
0xf3: {  	[tilespmem:$0x90E0] =	vst v2  }
0xf4: {  	[tilespmem:$0x90F0] =	vst v2;
	v6 =	vmov s19;
	v7 =	vmov s18  }
0xf5: {  	p1 =	seq.s32 s20, $0x1  }
.Ltmp6:
0xf6: {  	_ = 	snop;
	(pc) =	sbr.rel @p1 .LBB2_10-.Ltmp6, $3  }
0xf7: {  	_ =	sdelay $0x1  }
0xf8: {  	s21 =	simm.s32 $0x8800  }
0xf9: {  	s19 =	simm.s32 $0x0;
	p0 =	por $0x0, $0x0;
	v8 =	vld [tilespmem:s21+$0x0];
	s21 =	sadd.s32 $0xFFFFFFFF, s20  }
0xfa: {  	_ =	sdelay $0x3  }
0xfb: {  	v9 =	vor.u32 s19, v0;
	v8 =	vshra.s32 v8, v7  }
0xfc: {  	vm1 =	vlt.s32 v9, v6;
	v8 =	vand.u32 $0xF, v8  }
0xfd: {  	v8 =	vor.u32 v1, v8  }
0xfe: {  	p1 =	seq.s32 s21, $0x1  }
.Ltmp7:
0xff: {  	_ = 	snop;
	(pc) =	sbr.rel @p1 .LBB2_12-.Ltmp7, $3  }
0x100: {  	_ =	sdelay $0x1  }
0x101: {  	s22 =	simm.s32 $0x8810;
	[tilespmem:v8+s8+$0x0] =	vst.idx.add.s32.msk vm1, v4  }
0x102: {  	s23 =	sadd.s32 $0xFFFFFFFF, s21;
	p0 =	por $0x1, $0x1;
	s21 =	simm.s32 $0x0;
	v8 =	vld [tilespmem:s22+$0x0]  }
.LBB2_13:
0x103: {  	p1 =	seq.s32 s23, $0x1;
	_ =	sdelay $0x2  }
0x104: {  	s21 =	sadd.s32 $0x10, s21  }
0x105: {  	v9 =	vor.u32 s21, v0;
	v8 =	vshra.s32 v8, v7  }
0x106: {  	vm1 =	vlt.s32 v9, v6;
	v8 =	vand.u32 $0xF, v8  }
0x107: {  	v8 =	vor.u32 v1, v8;
	_ =	sdelay $0x1  }
.Ltmp8:
0x108: {  	(pc) =	sbr.rel @!p1 .LBB2_13-.Ltmp8, $3  }
0x109: {  	_ =	sdelay $0x1  }
0x10a: {  	s22 =	sadd.s32 $0x10, s22;
	[tilespmem:v8+s8+$0x0] =	vst.idx.add.s32.msk vm1, v4  }
0x10b: {  	s23 =	sadd.s32 $0xFFFFFFFF, s23;
	v8 =	vld [tilespmem:s22+$0x0]  }
.LBB2_14:
0x10c: {  	_ =	sdelay $0x1  }
0x10d: {  	s21 =	sadd.s32 @p0 $0x10, s21  }
0x10e: {  	s19 =	smov.u32 @p0 s21  }
0x10f: {  	v9 =	vor.u32 s19, v0;
	v8 =	vshra.s32 v8, v7  }
0x110: {  	vm1 =	vlt.s32 v9, v6;
	v8 =	vand.u32 $0xF, v8  }
0x111: {  	v8 =	vor.u32 v1, v8;
	_ =	sdelay $0x4  }
0x112: {  	[tilespmem:v8+s8+$0x0] =	vst.idx.add.s32.msk vm1, v4  }
.LBB2_15:
0x113: {  	v8 =	vld [tilespmem:$0x9000]  }
0x114: {  	v9 =	vld [tilespmem:$0x9010]  }
0x115: {  	v10 =	vld [tilespmem:$0x9020]  }
0x116: {  	v11 =	vld [tilespmem:$0x9030]  }
0x117: {  	v12 =	vld [tilespmem:$0x9040]  }
0x118: {  	v13 =	vld [tilespmem:$0x9050]  }
0x119: {  	v8 =	vadd.s32 v8, v9;
	v9 =	vld [tilespmem:$0x9060]  }
0x11a: {  	v8 =	vadd.s32 v8, v10;
	v10 =	vld [tilespmem:$0x9070]  }
0x11b: {  	v8 =	vadd.s32 v8, v11;
	v11 =	vld [tilespmem:$0x9080]  }
0x11c: {  	v60 =	vld [tilespmem:$0x9090];
	v8 =	vadd.s32 v8, v12  }
0x11d: {  	v61 =	vld [tilespmem:$0x90A0];
	v8 =	vadd.s32 v8, v13  }
0x11e: {  	v8 =	vadd.s32 v8, v9;
	v9 =	vld [tilespmem:$0x90B0]  }
0x11f: {  	v8 =	vadd.s32 v8, v10;
	v10 =	vld [tilespmem:$0x90C0]  }
0x120: {  	v8 =	vadd.s32 v8, v11;
	v11 =	vld [tilespmem:$0x90D0]  }
0x121: {  	v62 =	vld [tilespmem:$0x90E0];
	v8 =	vadd.s32 v8, v60  }
0x122: {  	v63 =	vld [tilespmem:$0x90F0];
	v8 =	vadd.s32 v8, v61  }
0x123: {  	v8 =	vadd.s32 v8, v9  }
0x124: {  	v8 =	vadd.s32 v8, v10  }
0x125: {  	v8 =	vadd.s32 v8, v11  }
0x126: {  	v8 =	vadd.s32 v8, v62  }
0x127: {  	v9 =	vadd.s32 v8, v63  }
0x128: {  	v8 =	vperm.xlane v9, v5;
	_ =	sdelay $0x1  }
0x129: {  	(xrf0) =	vadd.scan.msk.s32 $0xffff, v8;
	_ =	sdelay $0x5  }
0x12a: {  	v8, _, _ =	vpop (xrf0)  }
0x12b: {  	vm1 =	vge.s32 v8, s17  }
0x12c: {  	v8 =	vmctz.xlane vm1;
	_ =	sdelay $0x1  }
0x12d: {  	v8 =	vxor.u32 $0x80000000, v8  }
0x12e: {  	(xrf0) =	vmax.scan.msk.u32 $0xffff, v8;
	_ =	sdelay $0x5  }
0x12f: {  	v8, _, _ =	vpop (xrf0)  }
0x130: {  	(v2sf) =	vpush v8, $0xF;
	_ =	sdelay $0xe  }
0x131: {  	s19 =	spop (v2sf)  }
0x132: {  	s19 =	sxor.u32 $0x80000000, s19  }
0x133: {  	s19 =	ssub.s32 $0xF, s19  }
0x134: {  	v8 =	vmov s19  }
0x135: {  	vm1 =	vlt.s32 v8, v0  }
0x136: {  	v10 =	vnsel vm1, $0x0, v9;
	vm1 =	veq.s32 v8, v0  }
0x137: {  	(xrf0) =	vadd.scan.msk.s32 $0xffff, v10;
	v9 =	vnsel vm1, $0x0, v9  }
0x138: {  	(xrf0) =	vadd.scan.msk.s32 $0xffff, v9;
	_ =	sdelay $0x4  }
0x139: {  	v9, _, _ =	vpop (xrf0)  }
0x13a: {  	(v2sf) =	vpush v9, $0xF;
	v9, _, _ =	vpop (xrf0)  }
0x13b: {  	(v2sf) =	vpush v9, $0xF;
	_ =	sdelay $0x9  }
0x13c: {  	p0 =	sgt.s32 s20, $0x0  }
.Ltmp9:
0x13d: {  	_ = 	snop;
	(pc) =	sbr.rel @!p0 .LBB2_22-.Ltmp9, $3  }
0x13e: {  	_ =	sdelay $0x1  }
0x13f: {  	s21 =	spop (v2sf)  }
0x140: {  	s19 =	spop (v2sf)  }
0x141: {  	p1 =	sne.s32 s20, $0x1  }
.Ltmp10:
0x142: {  	s23 =	simm.s32 $0x8800;
	(pc) =	sbr.rel @!p1 .LBB2_17-.Ltmp10, $2  }
0x143: {  	v9 =	vld [tilespmem:s23+$0x0];
	_ =	sdelay $0x2  }
0x144: {  	s22 =	simm.s32 $0x0;
	s20 =	sadd.s32 $0xFFFFFFFF, s20;
	p0 =	por $0x0, $0x0  }
0x145: {  	_ = 	snop  }
0x146: {  	v10 =	vshra.s32 v9, v7  }
0x147: {  	v11 =	vor.u32 s22, v0;
	v10 =	vand.u32 $0xF, v10  }
0x148: {  	vm1 =	vlt.s32 v11, v6;
	vm2 =	veq.s32 v10, v8  }
0x149: {  	vm1 =	vmand vm1, vm2  }
0x14a: {  	v10 =	vmpcnt.ones.xlane vm1;
	_ =	sdelay $0x1  }
0x14b: {  	v10 =	vxor.u32 $0x80000000, v10  }
0x14c: {  	(xrf0) =	vmax.scan.msk.u32 $0xffff, v10;
	_ =	sdelay $0x1  }
0x14d: {  	p1 =	sne.s32 s20, $0x1  }
.Ltmp11:
0x14e: {  	s24 =	simm.s32 $0x8810;
	[tilespmem:s22+$0x8800] =	vst.msk vm1, v9;
	(pc) =	sbr.rel @!p1 .LBB2_19-.Ltmp11, $3  }
0x14f: {  	v9 =	vld [tilespmem:s24+$0x0];
	_ =	sdelay $0x1  }
0x150: {  	s25 =	sadd.s32 $0xFFFFFFFF, s20;
	v10, _, _ =	vpop (xrf0)  }
0x151: {  	p0 =	por $0x1, $0x1;
	s23 =	simm.s32 $0x0;
	s20 =	simm.s32 $0x0;
	(v2sf) =	vpush v10, $0xF  }
.LBB2_20:
0x152: {  	p1 =	sne.s32 s25, $0x1;
	_ =	sdelay $0x3  }
0x153: {  	v10 =	vshra.s32 v9, v7;
	s23 =	sadd.s32 $0x10, s23  }
0x154: {  	v11 =	vor.u32 s23, v0;
	v10 =	vand.u32 $0xF, v10  }
0x155: {  	vm1 =	vlt.s32 v11, v6;
	vm2 =	veq.s32 v10, v8  }
0x156: {  	vm1 =	vmand vm1, vm2  }
0x157: {  	v10 =	vmpcnt.ones.xlane vm1;
	_ =	sdelay $0x1  }
0x158: {  	v10 =	vxor.u32 $0x80000000, v10  }
0x159: {  	(xrf0) =	vmax.scan.msk.u32 $0xffff, v10;
	_ =	sdelay $0x2  }
.Ltmp12:
0x15a: {  	s26 =	spop (v2sf);
	(pc) =	sbr.rel @p1 .LBB2_20-.Ltmp12, $4  }
0x15b: {  	s20 =	sadd.s32 s26, s20  }
0x15c: {  	s20 =	sadd.s32 $0x80000000, s20  }
0x15d: {  	s24 =	sadd.s32 $0x10, s24;
	[tilespmem:s20+$0x8800] =	vst.msk vm1, v9;
	v10, _, _ =	vpop (xrf0)  }
0x15e: {  	s25 =	sadd.s32 $0xFFFFFFFF, s25;
	v9 =	vld [tilespmem:s24+$0x0];
	(v2sf) =	vpush v10, $0xF  }
.Ltmp13:
0x15f: {  	_ = 	snop;
	(pc) =	sbr.rel .LBB2_21-.Ltmp13, $1  }
0x160: {  	_ =	sdelay $0x3  }
.LBB2_10:
.Ltmp14:
0x161: {  	(pc) =	sbr.rel .LBB2_14-.Ltmp14, $2  }
0x162: {  	_ =	sdelay $0x2  }
0x163: {  	s21 =	simm.s32 $0x0  }
.LBB2_12:
.Ltmp15:
0x164: {  	(pc) =	sbr.rel .LBB2_14-.Ltmp15, $2  }
0x165: {  	_ =	sdelay $0x2  }
0x166: {  	s21 =	simm.s32 $0x0  }
.LBB2_19:
.Ltmp16:
0x167: {  	(pc) =	sbr.rel .LBB2_21-.Ltmp16, $2  }
0x168: {  	_ =	sdelay $0x2  }
0x169: {  	s23 =	simm.s32 $0x0;
	s20 =	simm.s32 $0x0  }
.LBB2_23:
0x16a: {  	p0 =	sgt.s32 s19, $0x10  }
0x16b: {  	s19 =	smov.u32 @p1 s19;
	s17 =	smov.u32 @p1 s17;
	p0 =	por @!p1 p0, p0  }
.LBB2_24:
0x16c: {  	v6 =	vld [tilespmem:$0x8800];
	_ =	sdelay $0x2  }
0x16d: {  	v7 =	vmov s19  }
0x16e: {  	vm1 =	vgt.s32 v7, v0  }
0x16f: {  	v7 =	vnsel vm1, $0x80000000, v6  }
0x170: {  	v8 =	vxor.u32 $0x80000000, v7  }
0x171: {  	(xrf1) =	vsort.dscd.msk.u32 $0xffff, v8, v7;
	_ =	sdelay $0xb  }
0x172: {  	s17 =	sadd.s32 $0xFFFFFFFF, s17  }
0x173: {  	v7 =	vmov s17  }
0x174: {  	vm1 =	veq.s32 v7, v0;
	v8, _, _ =	vpop (xrf1)  }
0x175: {  	v6 =	vnsel vm0, $0x80000000, v6;
	v7 =	vnsel vm1, $0x0, v8  }
0x176: {  	v6 =	vxor.u32 $0x80000000, v6;
	(xrf0) =	vmax.scan.msk.u32 $0xffff, v7  }
0x177: {  	(xrf0) =	vmax.scan.msk.u32 $0xffff, v6;
	_ =	sdelay $0x4  }
0x178: {  	v6, _, _ =	vpop (xrf0)  }
0x179: {  	(v2sf) =	vpush v6, $0xF;
	v6, _, _ =	vpop (xrf0)  }
0x17a: {  	(v2sf) =	vpush v6, $0xF;
	_ =	sdelay $0xd  }
0x17b: {  	s17 =	spop (v2sf)  }
0x17c: {  	s18 =	spop (v2sf)  }
0x17d: {  	s17 =	smov.u32 @p0 s18  }
0x17e: {  	v9 =	vld [tilespmem:s15+$0x30];
	s17 =	sxor.u32 $0x80000000, s17  }
0x17f: {  	v13 =	vld [tilespmem:s15+$0xFFFFFFD0];
	v6 =	vmov s17  }
0x180: {  	v12 =	vld [tilespmem:s15+$0xFFFFFFE0];
	v6 =	vshra.s32 v6, $0x1F  }
0x181: {  	v11 =	vld [tilespmem:s15+$0xFFFFFFF0];
	v6 =	vand.u32 $0x7FFFFFFF, v6  }
0x182: {  	v10 =	vld [tilespmem:s15+$0x0];
	v6 =	vxor.u32 s17, v6  }
0x183: {  	v8 =	vld [tilespmem:s15+$0x10];
	vm1 =	vge.f32 v9, v6  }
0x184: {  	v7 =	vld [tilespmem:s15+$0x20];
	vm2 =	vge.f32 v13, v6;
	v14 =	vnsel vm1, $0x0, v9  }
0x185: {  	s17 =	simm.s32 $0x0;
	v9 =	vld [tilespmem:s15+$0xFFFFFFC0];
	v13 =	vnsel vm2, $0x0, v13;
	vm1 =	vge.f32 v12, v6;
	[tilespmem:s15+$0x30] =	vst v14  }
.LBB2_25:
0x186: {  	v14 =	vld [tilespmem:s16+$0x30];
	s17 =	sadd.s32 $0x8, s17;
	[tilespmem:s15+$0xFFFFFFD0] =	vst v13;
	v12 =	vnsel vm1, $0x0, v12;
	vm1 =	vge.f32 v11, v6  }
0x187: {  	v13 =	vld [tilespmem:s16+$0xFFFFFFD0];
	p0 =	slt.u32 s17, $0x78;
	[tilespmem:s15+$0xFFFFFFE0] =	vst v12;
	v11 =	vnsel vm1, $0x0, v11;
	vm1 =	vge.f32 v10, v6  }
0x188: {  	v12 =	vld [tilespmem:s16+$0xFFFFFFE0];
	[tilespmem:s15+$0xFFFFFFF0] =	vst v11;
	v10 =	vnsel vm1, $0x0, v10;
	vm1 =	vge.f32 v8, v6  }
.Ltmp17:
0x189: {  	v11 =	vld [tilespmem:s16+$0xFFFFFFF0];
	[tilespmem:s15+$0x0] =	vst v10;
	v8 =	vnsel vm1, $0x0, v8;
	vm1 =	vge.f32 v7, v6;
	(pc) =	sbr.rel @p0 .LBB2_25-.Ltmp17, $4  }
0x18a: {  	v10 =	vld [tilespmem:s16+$0x0];
	vm2 =	vge.f32 v9, v6;
	[tilespmem:s15+$0x10] =	vst v8;
	v7 =	vnsel vm1, $0x0, v7  }
0x18b: {  	v8 =	vld [tilespmem:s16+$0x10];
	vm1 =	vge.f32 v14, v6;
	v9 =	vnsel vm2, $0x0, v9;
	[tilespmem:s15+$0x20] =	vst v7  }
0x18c: {  	vm2 =	vge.f32 v13, v6;
	v7 =	vld [tilespmem:s16+$0x20];
	v14 =	vnsel vm1, $0x0, v14;
	[tilespmem:s15+$0xFFFFFFC0] =	vst v9;
	s15 =	smov.u32 s16  }
0x18d: {  	s16 =	sadd.s32 $0x400, s16;
	v9 =	vld [tilespmem:s15+$0xFFFFFFC0];
	v13 =	vnsel vm2, $0x0, v13;
	vm1 =	vge.f32 v12, v6;
	[tilespmem:s15+$0x30] =	vst v14  }
0x18e: {  	[tilespmem:s15+$0xFFFFFFD0] =	vst v13;
	v12 =	vnsel vm1, $0x0, v12;
	vm1 =	vge.f32 v11, v6;
	s14 =	sadd.s32 $0x1, s14  }
0x18f: {  	[tilespmem:s15+$0xFFFFFFE0] =	vst v12;
	v11 =	vnsel vm1, $0x0, v11;
	vm1 =	vge.f32 v10, v6;
	p0 =	sne.s32 s14, $0x10  }
.Ltmp18:
0x190: {  	[tilespmem:s15+$0xFFFFFFF0] =	vst v11;
	v10 =	vnsel vm1, $0x0, v10;
	vm1 =	vge.f32 v8, v6;
	(pc) =	sbr.rel @p0 .LBB2_3-.Ltmp18, $4  }
0x191: {  	[tilespmem:s15+$0x0] =	vst v10;
	v8 =	vnsel vm1, $0x0, v8;
	vm1 =	vge.f32 v7, v6  }
0x192: {  	vm2 =	vge.f32 v9, v6;
	[tilespmem:s15+$0x10] =	vst v8;
	v6 =	vnsel vm1, $0x0, v7  }
0x193: {  	v7 =	vnsel vm2, $0x0, v9;
	[tilespmem:s15+$0x20] =	vst v6  }
0x194: {  	s13 =	sadd.s32 $0x800, s13;
	s12 =	sadd.s32 $0x1, s12;
	[tilespmem:s15+$0xFFFFFFC0] =	vst v7  }
0x195: {  	s10 =	sadd.s32 $0x1, s10  }
0x196: {  	p0 =	sne.s32 s10, $0x26  }
.Ltmp19:
0x197: {  	s11 =	sadd.s32 s4, s11;
	(pc) =	sbr.rel @p0 .LBB2_2-.Ltmp19, $4  }
0x198: {  	[hbm4b:s11+s2] =	stream.linear.scatter [tilespmem:s2], [sflag:$0x1], $0x8000, $0x38;
	[tilespmem:$0x9100] =	vst v63  }
0x199: {  	_ =	swait.ge [sflag:s7], $0x8000  }
0x19a: {  	[sflag:s7] =	ssyncset.done $0x0  }
0x19b: {  	[sflag:s7] =	ssyncadd.s32 $0xFFFF8000  }
0x19c: {  	s9 =	sadd.s32 $0x1, s9  }
0x19d: {  	p0 =	sne.s32 s9, s6  }
.Ltmp20:
0x19e: {  	_ = 	snop;
	(pc) =	sbr.rel @p0 .LBB2_1-.Ltmp20, $1  }
0x19f: {  	_ =	sdelay $0x3  }
0x1a0: {  	_ =	sfence.sel $0x180000  }
0x1a1: {  	[bflag:$0x0] =	sbarrier.arrive $0xFFFF  }
0x1a2: {  	p0 =	sne.s32 s1, $0x0;
	_ =	strace $0x90000047  }
0x1a3: {  	s0 =	sadd.s32 @!p0 $0x100000, s0;
	[bflag:$0x2] =	sbarrier.arrive $0xFFFF  }
0x1a4: {  	[sflag:s0] =	ssyncadd.tile.s32 @!p0 $0x1;
	_ =	shalt  }
.Lfunc_end2:
_tile_overlayer_lowered:
.L_overlay_start_2:
0x1a5: {  	(tag) =	ssettag $0x2  }
0x1a6: {  	s0 =	rddreg [dreg:$0x0];
	s2 =	stileid.u32  }
0x1a7: {  	s1 =	rddreg [dreg:$0x1];
	p0 =	sne.s32 s2, $0x0  }
0x1a8: {  	s3 =	rddreg [dreg:$0x2];
	[bflag:$0x3] =	sbarrier.arrive $0xFFFF;
	s2 =	simm.s32 @!p0 $0x1C01  }
0x1a9: {  	[timem:s3], [sflag:s2] =	dma.local @!p0 [hbm:s0], s1  }
0x1aa: {  	s0 =	simm.s32 @!p0 $0x1  }
0x1ab: {  	_ =	swait.ge @!p0 [sflag:s0], s1  }
0x1ac: {  	s1 =	ssub.s32 @!p0 $0x0, s1;
	[sflag:s0] =	ssyncset.done @!p0 $0x0  }
0x1ad: {  	[sflag:s0] =	ssyncadd.s32 @!p0 s1  }
0x1ae: {  	[bflag:$0x3] =	sbarrier.arrive $0xFFFF  }
0x1af: {  	_ =	shalt  }

</sc_bundles>
